<compile_context>
chip_gen: v7x
topology: tpu7x:2x2x1
jax: 0.10.2.dev20260603
libtpu: 0.0.44.dev20260713+nightly
codegen_flags: <defaults>
</compile_context>

<pallas_src>
import jax
import jax.numpy as jnp
from jax import lax
from jax.experimental import pallas as pl
from jax.experimental.pallas import tpu as pltpu
from jax.experimental.pallas import tpu_sc as plsc

N_NODES = 10000
N_EDGES = 320000
D = 128
ED = 16
LN_EPS = 1e-5

NC = 2
NS = 16
NW = NC * NS
CH = 128
NCH = 40
E_SL = NW * NCH * CH
N_SLICE = 2
E_PAD = N_SLICE * E_SL
N_PAD = 10240


def _sc_mesh():
    return plsc.VectorSubcoreMesh(
        core_axis_name="c", subcore_axis_name="s",
        num_cores=NC, num_subcores=NS,
    )


def _sc_gather_body(x_hbm, src_hbm, out_hbm, idx_v, buf0, buf1, xs,
                    gsem0, gsem1, wsem0, wsem1):
    c = lax.axis_index("c")
    s = lax.axis_index("s")
    wid = s * NC + c
    stage_rows = N_PAD // NS

    pltpu.sync_copy(
        x_hbm.at[pl.ds(s * stage_rows, stage_rows)],
        xs.at[pl.ds(s * stage_rows, stage_rows)],
    )
    pltpu.sync_copy(src_hbm.at[wid], idx_v)
    plsc.subcore_barrier()

    pltpu.async_copy(xs.at[idx_v.at[0]], buf0, gsem0)

    def pair(k, carry):
        a = 2 * k
        b = a + 1
        pltpu.make_async_copy(xs.at[idx_v.at[a]], buf0, gsem0).wait()

        @pl.when(k > 0)
        def _():
            pltpu.make_async_copy(buf1, out_hbm.at[wid, b - 2], wsem1).wait()

        pltpu.async_copy(xs.at[idx_v.at[b]], buf1, gsem1)
        pltpu.async_copy(buf0, out_hbm.at[wid, a], wsem0)
        pltpu.make_async_copy(xs.at[idx_v.at[b]], buf1, gsem1).wait()
        pltpu.make_async_copy(buf0, out_hbm.at[wid, a], wsem0).wait()

        @pl.when(k < NCH // 2 - 1)
        def _():
            pltpu.async_copy(xs.at[idx_v.at[a + 2]], buf0, gsem0)

        pltpu.async_copy(buf1, out_hbm.at[wid, b], wsem1)
        return carry

    lax.fori_loop(0, NCH // 2, pair, 0)
    pltpu.make_async_copy(buf1, out_hbm.at[wid, NCH - 1], wsem1).wait()


def _make_sc_gather():
    return pl.kernel(
        _sc_gather_body,
        out_type=jax.ShapeDtypeStruct((NW, NCH, CH, D), jnp.float32),
        mesh=_sc_mesh(),
        scratch_types=[
            pltpu.VMEM((NCH, CH), jnp.int32),
            pltpu.VMEM((CH, D), jnp.float32),
            pltpu.VMEM((CH, D), jnp.float32),
            pltpu.VMEM_SHARED((N_PAD, D), jnp.float32),
            pltpu.SemaphoreType.DMA,
            pltpu.SemaphoreType.DMA,
            pltpu.SemaphoreType.DMA,
            pltpu.SemaphoreType.DMA,
        ],
    )


def _sc_scatter_body(msg_hbm, dst_hbm, out_hbm, idx_v, buf0, buf1, acc,
                     rsem0, rsem1, asem0, asem1):
    c = lax.axis_index("c")
    s = lax.axis_index("s")
    wid = s * NC + c
    rows_per_s = N_PAD // NS

    def zero_buf(i, carry):
        buf0[i // 8, pl.ds((i % 8) * 16, 16)] = jnp.zeros((16,), jnp.float32)
        return carry

    lax.fori_loop(0, (CH * D) // 16, zero_buf, 0)

    def zero_acc(k, carry):
        pltpu.sync_copy(buf0, acc.at[pl.ds(s * rows_per_s + k * CH, CH)])
        return carry

    lax.fori_loop(0, rows_per_s // CH, zero_acc, 0)
    plsc.subcore_barrier()

    pltpu.sync_copy(dst_hbm.at[wid], idx_v)

    pltpu.async_copy(msg_hbm.at[wid, 0], buf0, rsem0)

    def pair(k, carry):
        a = 2 * k
        b = a + 1
        pltpu.make_async_copy(msg_hbm.at[wid, a], buf0, rsem0).wait()

        @pl.when(k > 0)
        def _():
            pltpu.make_async_copy(buf1, acc.at[idx_v.at[b - 2]], asem1).wait()

        pltpu.async_copy(msg_hbm.at[wid, b], buf1, rsem1)
        pltpu.async_copy(buf0, acc.at[idx_v.at[a]], asem0, add=True)
        pltpu.make_async_copy(msg_hbm.at[wid, b], buf1, rsem1).wait()
        pltpu.make_async_copy(buf0, acc.at[idx_v.at[a]], asem0).wait()

        @pl.when(k < NCH // 2 - 1)
        def _():
            pltpu.async_copy(msg_hbm.at[wid, a + 2], buf0, rsem0)

        pltpu.async_copy(buf1, acc.at[idx_v.at[b]], asem1, add=True)
        return carry

    lax.fori_loop(0, NCH // 2, pair, 0)
    pltpu.make_async_copy(buf1, acc.at[idx_v.at[NCH - 1]], asem1).wait()
    plsc.subcore_barrier()
    pltpu.sync_copy(
        acc.at[pl.ds(s * rows_per_s, rows_per_s)],
        out_hbm.at[c, pl.ds(s * rows_per_s, rows_per_s)],
    )


def _make_sc_scatter():
    return pl.kernel(
        _sc_scatter_body,
        out_type=jax.ShapeDtypeStruct((NC, N_PAD, D), jnp.float32),
        mesh=_sc_mesh(),
        scratch_types=[
            pltpu.VMEM((NCH, CH), jnp.int32),
            pltpu.VMEM((CH, D), jnp.float32),
            pltpu.VMEM((CH, D), jnp.float32),
            pltpu.VMEM_SHARED((N_PAD, D), jnp.float32),
            pltpu.SemaphoreType.DMA,
            pltpu.SemaphoreType.DMA,
            pltpu.SemaphoreType.DMA,
            pltpu.SemaphoreType.DMA,
        ],
    )


E_BLK = 4096


def _msg_body(ea_ref, xg_ref, We_ref, be_ref, Wm_ref, bm_ref, out_ref):
    e = jnp.dot(ea_ref[...], We_ref[...], preferred_element_type=jnp.float32)
    e = e + be_ref[...]
    e = e * jax.nn.sigmoid(e)
    t = jnp.maximum(xg_ref[...] + e, 0.0)
    m = jnp.dot(t, Wm_ref[...], preferred_element_type=jnp.float32) + bm_ref[...]
    out_ref[...] = m * jax.nn.sigmoid(m)


def _msg_call(ea, xg, We, be, Wm, bm):
    grid = (E_SL // E_BLK,)
    return pl.pallas_call(
        _msg_body,
        grid=grid,
        in_specs=[
            pl.BlockSpec((E_BLK, ED), lambda i: (i, 0)),
            pl.BlockSpec((E_BLK, D), lambda i: (i, 0)),
            pl.BlockSpec((ED, D), lambda i: (0, 0)),
            pl.BlockSpec((1, D), lambda i: (0, 0)),
            pl.BlockSpec((D, D), lambda i: (0, 0)),
            pl.BlockSpec((1, D), lambda i: (0, 0)),
        ],
        out_specs=pl.BlockSpec((E_BLK, D), lambda i: (i, 0)),
        out_shape=jax.ShapeDtypeStruct((E_SL, D), jnp.float32),
    )(ea, xg, We, be, Wm, bm)


def _final_body(*refs):
    agg_refs = refs[:2 * N_SLICE]
    x_ref, n2g_col_ref, n2g_row_ref, eps_ref, gw_ref, gb_ref, out_ref = refs[2 * N_SLICE:]
    x = x_ref[...]
    agg = agg_refs[0][...]
    for r in agg_refs[1:]:
        agg = agg + r[...]
    h = agg + (1.0 + eps_ref[0, 0]) * x

    gid_cols = lax.broadcasted_iota(jnp.int32, (N_NODES, D), 1)
    oh = (gid_cols == n2g_col_ref[...]).astype(jnp.float32)
    gid_rows = lax.broadcasted_iota(jnp.int32, (D, N_NODES), 0)
    ohT = (gid_rows == n2g_row_ref[...]).astype(jnp.float32)

    cnt = jnp.sum(ohT, axis=1, keepdims=True)
    norm = jnp.maximum(cnt, 1.0) * jnp.float32(D)

    s1 = jnp.dot(ohT, h, preferred_element_type=jnp.float32)
    mean_g = jnp.sum(s1, axis=1, keepdims=True) / norm
    mean_n = jnp.dot(oh, mean_g, preferred_element_type=jnp.float32)
    xc = h - mean_n
    s2 = jnp.dot(ohT, xc * xc, preferred_element_type=jnp.float32)
    var_g = jnp.sum(s2, axis=1, keepdims=True) / norm
    rstd_g = lax.rsqrt(var_g + jnp.float32(LN_EPS))
    rstd_n = jnp.dot(oh, rstd_g, preferred_element_type=jnp.float32)

    y = xc * rstd_n * gw_ref[...] + gb_ref[...] + x
    out_ref[...] = jnp.maximum(y, 0.0)


def _final_call(aggs, x, n2g_col, n2g_row, eps, gw, gb):
    return pl.pallas_call(
        _final_body,
        out_shape=jax.ShapeDtypeStruct((N_NODES, D), jnp.float32),
    )(*aggs, x, n2g_col, n2g_row, eps, gw, gb)


def kernel(x, edge_index, edge_attr, node2graph,
           We1, be1, Wm1, bm1, eps1, gn1_w, gn1_b,
           We2, be2, Wm2, bm2, eps2, gn2_w, gn2_b):
    n_pad_edges = E_PAD - N_EDGES
    src = jnp.concatenate(
        [edge_index[0], jnp.zeros((n_pad_edges,), jnp.int32)]
    )
    dst = jnp.concatenate(
        [edge_index[1], jnp.full((n_pad_edges,), N_NODES, jnp.int32)]
    )
    ea = jnp.concatenate(
        [edge_attr, jnp.zeros((n_pad_edges, ED), jnp.float32)], axis=0
    )
    x_pad = jnp.concatenate(
        [x, jnp.zeros((N_PAD - N_NODES, D), jnp.float32)], axis=0
    )

    gather = _make_sc_gather()
    scatter = _make_sc_scatter()
    be2r = be2.reshape(1, D)
    bm2r = bm2.reshape(1, D)

    aggs = []
    for h in range(N_SLICE):
        sl = slice(h * E_SL, (h + 1) * E_SL)
        src_h = src[sl].reshape(NW, NCH, CH)
        dst_h = dst[sl].reshape(NW, NCH, CH)
        xg = gather(x_pad, src_h).reshape(E_SL, D)
        msg = _msg_call(ea[sl], xg, We2, be2r, Wm2, bm2r)
        aggs.append(scatter(msg.reshape(NW, NCH, CH, D), dst_h))

    partials = [a[c, :N_NODES] for a in aggs for c in range(NC)]
    out = _final_call(
        partials, x,
        node2graph.reshape(N_NODES, 1), node2graph.reshape(1, N_NODES),
        eps2.reshape(1, 1), gn2_w.reshape(1, D), gn2_b.reshape(1, D),
    )
    return out

# --- scband reference (transcript-rebuilt; emitter-appended) ---
"""Pipeline reference for scband-residual-block-24386824306904 (READ-ONLY COPY).

The authoritative reference and input builder live on the scoring server;
editing this copy changes nothing except your own understanding.
"""

import jax, jax.numpy as jnp
import numpy as np

N_NODES = 10000
N_EDGES = 320000
NODE_DIM = 128
EDGE_DIM = 16
N_GRAPHS = 64
LN_EPS = 1e-5


def setup_inputs(seed: int = 0) -> dict:
    key = jax.random.key(seed)
    ks = jax.random.split(key, 20)
    x = jax.random.normal(ks[0], (N_NODES, NODE_DIM), dtype=jnp.float32)
    edge_index = jax.random.randint(ks[1], (2, N_EDGES), 0, N_NODES, dtype=jnp.int32)
    edge_attr = jax.random.normal(ks[2], (N_EDGES, EDGE_DIM), dtype=jnp.float32)
    node2graph = jnp.sort(jax.random.randint(ks[3], (N_NODES,), 0, N_GRAPHS, dtype=jnp.int32))

    def lin(k, fin, fout):
        s = 1.0 / np.sqrt(fin)
        kw, kb = jax.random.split(k)
        W = jax.random.uniform(kw, (fin, fout), minval=-s, maxval=s, dtype=jnp.float32)
        b = jax.random.uniform(kb, (fout,), minval=-s, maxval=s, dtype=jnp.float32)
        return W, b

    We1, be1 = lin(ks[4], EDGE_DIM, NODE_DIM)
    Wm1, bm1 = lin(ks[5], NODE_DIM, NODE_DIM)
    We2, be2 = lin(ks[6], EDGE_DIM, NODE_DIM)
    Wm2, bm2 = lin(ks[7], NODE_DIM, NODE_DIM)
    eps1 = jnp.array([0.1], dtype=jnp.float32)
    eps2 = jnp.array([0.1], dtype=jnp.float32)
    gn1_w = jnp.ones((NODE_DIM,), dtype=jnp.float32)
    gn1_b = jnp.zeros((NODE_DIM,), dtype=jnp.float32)
    gn2_w = jnp.ones((NODE_DIM,), dtype=jnp.float32)
    gn2_b = jnp.zeros((NODE_DIM,), dtype=jnp.float32)
    return dict(x=x, edge_index=edge_index, edge_attr=edge_attr, node2graph=node2graph,
                We1=We1, be1=be1, Wm1=Wm1, bm1=bm1, eps1=eps1, gn1_w=gn1_w, gn1_b=gn1_b,
                We2=We2, be2=be2, Wm2=Wm2, bm2=bm2, eps2=eps2, gn2_w=gn2_w, gn2_b=gn2_b)


def _gine_conv(x, src, dst, edge_attr, We, be, Wm, bm, eps):
    # edge_layer: Linear(edge_dim, node_dim) + SiLU
    e = jax.nn.silu(edge_attr @ We + be)
    # message: silu(relu(x_j + e) @ Wm + bm), aggr='add' at dst
    msg = jax.nn.silu(jax.nn.relu(x[src] + e) @ Wm + bm)
    agg = jax.ops.segment_sum(msg, dst, num_segments=x.shape[0])
    return agg + (1.0 + eps) * x


def _graph_norm(x, batch, weight, bias):
    # pyg_nn.LayerNorm(mode='graph'): normalize over all nodes and channels per graph
    F = x.shape[1]
    cnt = jax.ops.segment_sum(jnp.ones((x.shape[0],), x.dtype), batch, num_segments=N_GRAPHS)
    norm = jnp.clip(cnt, 1.0, None) * F
    mean = jax.ops.segment_sum(x, batch, num_segments=N_GRAPHS).sum(axis=-1) / norm
    xc = x - mean[batch][:, None]
    var = jax.ops.segment_sum(xc * xc, batch, num_segments=N_GRAPHS).sum(axis=-1) / norm
    out = xc / jnp.sqrt(var + LN_EPS)[batch][:, None]
    return out * weight + bias


def reference(x, edge_index, edge_attr, node2graph,
              We1, be1, Wm1, bm1, eps1, gn1_w, gn1_b,
              We2, be2, Wm2, bm2, eps2, gn2_w, gn2_b):
    src = edge_index[0]
    dst = edge_index[1]
    identity = x
    out = _gine_conv(x, src, dst, edge_attr, We1, be1, Wm1, bm1, eps1)
    out = _graph_norm(out, node2graph, gn1_w, gn1_b)
    out = jax.nn.relu(out)
    # NOTE: faithful to original forward, conv2 consumes x (not out)
    out = _gine_conv(x, src, dst, edge_attr, We2, be2, Wm2, bm2, eps2)
    out = _graph_norm(out, node2graph, gn2_w, gn2_b)
    out = out + identity
    out = jax.nn.relu(out)
    return out

if __name__ == "__main__":
    import jax
    _d = setup_inputs()
    print(jax.jit(kernel)(*tuple(_d.values())))

</pallas_src>

<mosaic_0001>
#map = affine_map<(d0, d1) -> (0, 0, 0, 0)>
#map1 = affine_map<(d0, d1) -> (0, 0, 0)>
module attributes {stable_mosaic.version = 14 : i64} {
  func.func @_sc_scatter_body(%arg0: i32, %arg1: i32, %arg2: memref<32x40x128x128xf32, #tpu.memory_space<hbm>>, %arg3: memref<32x40x128xi32, #tpu.memory_space<hbm>>, %arg4: memref<2x10240x128xf32, #tpu.memory_space<hbm>>, %arg5: memref<40x128xi32, #tpu.memory_space<vmem>>, %arg6: memref<128x128xf32, #tpu.memory_space<vmem>>, %arg7: memref<128x128xf32, #tpu.memory_space<vmem>>, %arg8: memref<10240x128xf32, #tpu.memory_space<vmem_shared>>, %arg9: memref<!tpu.dma_semaphore, #tpu.memory_space<semaphore_mem>>, %arg10: memref<!tpu.dma_semaphore, #tpu.memory_space<semaphore_mem>>, %arg11: memref<!tpu.dma_semaphore, #tpu.memory_space<semaphore_mem>>, %arg12: memref<!tpu.dma_semaphore, #tpu.memory_space<semaphore_mem>>) attributes {dimension_semantics = [#tpu.dimension_semantics<core_parallel>, #tpu.dimension_semantics<subcore_parallel>], iteration_bounds = array<i64: 2, 16>, scalar_prefetch = 0 : i64, scratch_operands = 8 : i64, tpu.core_type = #tpu.core_type<sc_vector_subcore>, window_params = [{transform_indices = #map}, {transform_indices = #map1}, {transform_indices = #map1}]} {
    %mul3A = arith.constant 2 : i32
    %mul3A_0 = arith.muli %arg1, %mul3A : i32
    %add3A = arith.addi %mul3A_0, %arg0 : i32
    %scan3A = arith.constant 0 : i32
    %scan3A_1 = arith.constant 0 : i32
    %scan3A_2 = arith.constant 1024 : i32
    %scan3A_3 = arith.addi %scan3A_1, %scan3A_2 : i32
    %scan3A_4 = arith.constant 1 : i32
    scf.for %scan3A_37 = %scan3A_1 to %scan3A_3 step %scan3A_4  : i32 {
      %broadcast_in_dim3A = arith.constant 0.000000e+00 : f32
      %broadcast_in_dim3A_38 = vector.broadcast %broadcast_in_dim3A : f32 to vector<16xf32>
      %jit3A = arith.constant 8 : i32
      %div3A = arith.divsi %scan3A_37, %jit3A : i32
      %sign3A = arith.constant 0 : i32
      %sign3A_39 = arith.cmpi sgt, %scan3A_37, %sign3A : i32
      %sign3A_40 = arith.extui %sign3A_39 : i1 to i32
      %sign3A_41 = arith.constant 0 : i32
      %sign3A_42 = arith.cmpi slt, %scan3A_37, %sign3A_41 : i32
      %sign3A_43 = arith.extui %sign3A_42 : i1 to i32
      %sign3A_44 = arith.subi %sign3A_40, %sign3A_43 : i32
      %sign3A_45 = arith.constant 0 : i32
      %sign3A_46 = arith.cmpi sgt, %jit3A, %sign3A_45 : i32
      %sign3A_47 = arith.extui %sign3A_46 : i1 to i32
      %sign3A_48 = arith.constant 0 : i32
      %sign3A_49 = arith.cmpi slt, %jit3A, %sign3A_48 : i32
      %sign3A_50 = arith.extui %sign3A_49 : i1 to i32
      %sign3A_51 = arith.subi %sign3A_47, %sign3A_50 : i32
      %ne3A = arith.cmpi ne, %sign3A_44, %sign3A_51 : i32
      %rem3A = arith.remsi %scan3A_37, %jit3A : i32
      %ne3A_52 = arith.constant 0 : i32
      %ne3A_53 = arith.cmpi ne, %rem3A, %ne3A_52 : i32
      %and3A = arith.andi %ne3A, %ne3A_53 : i1
      %sub3A = arith.constant 1 : i32
      %sub3A_54 = arith.subi %div3A, %sub3A : i32
      %select_n3A = arith.select %and3A, %sub3A_54, %div3A : i32
      %jit3A_55 = arith.constant 8 : i32
      %eq3A = arith.constant 0 : i32
      %eq3A_56 = arith.cmpi eq, %jit3A_55, %eq3A : i32
      %jit3A_57 = arith.constant 1 : i32
      %select_n3A_58 = arith.select %eq3A_56, %jit3A_57, %jit3A_55 : i32
      %rem3A_59 = arith.remsi %scan3A_37, %select_n3A_58 : i32
      %ne3A_60 = arith.constant 0 : i32
      %ne3A_61 = arith.cmpi ne, %rem3A_59, %ne3A_60 : i32
      %lt3A = arith.constant 0 : i32
      %lt3A_62 = arith.cmpi slt, %rem3A_59, %lt3A : i32
      %lt3A_63 = arith.constant 0 : i32
      %lt3A_64 = arith.cmpi slt, %select_n3A_58, %lt3A_63 : i32
      %ne3A_65 = arith.xori %lt3A_62, %lt3A_64 : i1
      %and3A_66 = arith.andi %ne3A_65, %ne3A_61 : i1
      %add3A_67 = arith.addi %rem3A_59, %select_n3A_58 : i32
      %select_n3A_68 = arith.select %and3A_66, %add3A_67, %rem3A_59 : i32
      %mul3A_69 = arith.constant 16 : i32
      %mul3A_70 = arith.muli %select_n3A_68, %mul3A_69 : i32
      %swap3A = arith.index_cast %select_n3A : i32 to index
      %swap3A_71 = arith.index_cast %mul3A_70 : i32 to index
      %swap3A_72 = tpu.vector_load %arg6[%swap3A, %swap3A_71] {strides = array<i32>} : memref<128x128xf32, #tpu.memory_space<vmem>>, vector<1x16xf32>,
      %swap3A_73 = vector.shape_cast %swap3A_72 : vector<1x16xf32> to vector<16xf32>
      %swap3A_74 = vector.shape_cast %broadcast_in_dim3A_38 : vector<16xf32> to vector<1x16xf32>
      tpu.vector_store %arg6[%swap3A, %swap3A_71], %swap3A_74 {strides = array<i32>} : memref<128x128xf32, #tpu.memory_space<vmem>>, vector<1x16xf32>,
    }
    %scan3A_5 = arith.constant 1024 : i32
    %scan3A_6 = arith.constant 0 : i32
    %scan3A_7 = arith.constant 0 : i32
    %scan3A_8 = arith.constant 5 : i32
    %scan3A_9 = arith.addi %scan3A_7, %scan3A_8 : i32
    %scan3A_10 = arith.constant 1 : i32
    scf.for %scan3A_37 = %scan3A_7 to %scan3A_9 step %scan3A_10  : i32 {
      %mul3A_38 = arith.constant 640 : i32
      %mul3A_39 = arith.muli %arg1, %mul3A_38 : i32
      %mul3A_40 = arith.constant 128 : i32
      %mul3A_41 = arith.muli %scan3A_37, %mul3A_40 : i32
      %add3A_42 = arith.addi %mul3A_39, %mul3A_41 : i32
      "tpu.region"() ({
        %run_scoped3A = tpu.sem_alloc : memref<!tpu.dma_semaphore, #tpu.memory_space<semaphore_mem>>
        %dma_start3A_43 = arith.constant 0 : i32
        %dma_start3A_44 = tpu.memref_slice %arg8[%add3A_42, %dma_start3A_43] : memref<10240x128xf32, #tpu.memory_space<vmem_shared>> -> memref<128x128xf32, #tpu.memory_space<vmem_shared>>
        %dma_start3A_45 = arith.constant 0 : i32
        %dma_start3A_46 = tpu.memref_slice %arg8[%add3A_42, %dma_start3A_45] : memref<10240x128xf32, #tpu.memory_space<vmem_shared>> -> memref<128x128xf32, #tpu.memory_space<vmem_shared>>
        tpu.enqueue_dma source(%arg6 : memref<128x128xf32, #tpu.memory_space<vmem>>) target(%dma_start3A_46 : memref<128x128xf32, #tpu.memory_space<vmem_shared>>) target_semaphore(%run_scoped3A : memref<!tpu.dma_semaphore, #tpu.memory_space<semaphore_mem>>)
        %dma_wait3A_47 = arith.constant 0 : i32
        %dma_wait3A_48 = tpu.memref_slice %arg8[%add3A_42, %dma_wait3A_47] : memref<10240x128xf32, #tpu.memory_space<vmem_shared>> -> memref<128x128xf32, #tpu.memory_space<vmem_shared>>
        %dma_wait3A_49 = arith.constant 0 : i32
        %dma_wait3A_50 = tpu.memref_slice %arg8[%add3A_42, %dma_wait3A_49] : memref<10240x128xf32, #tpu.memory_space<vmem_shared>> -> memref<128x128xf32, #tpu.memory_space<vmem_shared>>
        tpu.wait_dma2 semaphore(%run_scoped3A : memref<!tpu.dma_semaphore, #tpu.memory_space<semaphore_mem>>) src(%arg6 : memref<128x128xf32, #tpu.memory_space<vmem>>) dst(%dma_wait3A_50 : memref<128x128xf32, #tpu.memory_space<vmem_shared>>)
        tpu.yield
      }) : () -> ()
    }
    %scan3A_11 = arith.constant 5 : i32
    %barrier3A = arith.constant 0 : index
    tpu.barrier barrier_id(%barrier3A)
    "tpu.region"() ({
      %run_scoped3A = tpu.sem_alloc : memref<!tpu.dma_semaphore, #tpu.memory_space<semaphore_mem>>
      %dma_start3A_37 = arith.constant 0 : i32
      %dma_start3A_38 = arith.constant 0 : i32
      %dma_start3A_39 = tpu.memref_slice %arg3[%add3A, %dma_start3A_37, %dma_start3A_38] : memref<32x40x128xi32, #tpu.memory_space<hbm>> -> memref<1x40x128xi32, #tpu.memory_space<hbm>>
      %dma_start3A_40 = tpu.memref_squeeze %dma_start3A_39 : memref<1x40x128xi32, #tpu.memory_space<hbm>> -> memref<40x128xi32, #tpu.memory_space<hbm>>
      %dma_start3A_41 = arith.constant 0 : i32
      %dma_start3A_42 = arith.constant 0 : i32
      %dma_start3A_43 = tpu.memref_slice %arg3[%add3A, %dma_start3A_41, %dma_start3A_42] : memref<32x40x128xi32, #tpu.memory_space<hbm>> -> memref<1x40x128xi32, #tpu.memory_space<hbm>>
      %dma_start3A_44 = tpu.memref_squeeze %dma_start3A_43 : memref<1x40x128xi32, #tpu.memory_space<hbm>> -> memref<40x128xi32, #tpu.memory_space<hbm>>
      tpu.enqueue_dma source(%dma_start3A_44 : memref<40x128xi32, #tpu.memory_space<hbm>>) target(%arg5 : memref<40x128xi32, #tpu.memory_space<vmem>>) target_semaphore(%run_scoped3A : memref<!tpu.dma_semaphore, #tpu.memory_space<semaphore_mem>>)
      %dma_wait3A_45 = arith.constant 0 : i32
      %dma_wait3A_46 = arith.constant 0 : i32
      %dma_wait3A_47 = tpu.memref_slice %arg3[%add3A, %dma_wait3A_45, %dma_wait3A_46] : memref<32x40x128xi32, #tpu.memory_space<hbm>> -> memref<1x40x128xi32, #tpu.memory_space<hbm>>
      %dma_wait3A_48 = tpu.memref_squeeze %dma_wait3A_47 : memref<1x40x128xi32, #tpu.memory_space<hbm>> -> memref<40x128xi32, #tpu.memory_space<hbm>>
      %dma_wait3A_49 = arith.constant 0 : i32
      %dma_wait3A_50 = arith.constant 0 : i32
      %dma_wait3A_51 = tpu.memref_slice %arg3[%add3A, %dma_wait3A_49, %dma_wait3A_50] : memref<32x40x128xi32, #tpu.memory_space<hbm>> -> memref<1x40x128xi32, #tpu.memory_space<hbm>>
      %dma_wait3A_52 = tpu.memref_squeeze %dma_wait3A_51 : memref<1x40x128xi32, #tpu.memory_space<hbm>> -> memref<40x128xi32, #tpu.memory_space<hbm>>
      tpu.wait_dma2 semaphore(%run_scoped3A : memref<!tpu.dma_semaphore, #tpu.memory_space<semaphore_mem>>) src(%dma_wait3A_52 : memref<40x128xi32, #tpu.memory_space<hbm>>) dst(%arg5 : memref<40x128xi32, #tpu.memory_space<vmem>>)
      tpu.yield
    }) : () -> ()
    %dma_start3A = arith.constant 0 : i32
    %dma_start3A_12 = arith.constant 0 : i32
    %dma_start3A_13 = arith.constant 0 : i32
    %dma_start3A_14 = tpu.memref_slice %arg2[%add3A, %dma_start3A, %dma_start3A_12, %dma_start3A_13] : memref<32x40x128x128xf32, #tpu.memory_space<hbm>> -> memref<1x1x128x128xf32, #tpu.memory_space<hbm>>
    %dma_start3A_15 = tpu.memref_squeeze %dma_start3A_14 : memref<1x1x128x128xf32, #tpu.memory_space<hbm>> -> memref<128x128xf32, #tpu.memory_space<hbm>>
    %dma_start3A_16 = arith.constant 0 : i32
    %dma_start3A_17 = arith.constant 0 : i32
    %dma_start3A_18 = tpu.memref_slice %arg2[%add3A, %dma_start3A, %dma_start3A_16, %dma_start3A_17] : memref<32x40x128x128xf32, #tpu.memory_space<hbm>> -> memref<1x1x128x128xf32, #tpu.memory_space<hbm>>
    %dma_start3A_19 = tpu.memref_squeeze %dma_start3A_18 : memref<1x1x128x128xf32, #tpu.memory_space<hbm>> -> memref<128x128xf32, #tpu.memory_space<hbm>>
    tpu.enqueue_dma source(%dma_start3A_19 : memref<128x128xf32, #tpu.memory_space<hbm>>) target(%arg6 : memref<128x128xf32, #tpu.memory_space<vmem>>) target_semaphore(%arg9 : memref<!tpu.dma_semaphore, #tpu.memory_space<semaphore_mem>>)
    %scan3A_20 = arith.constant 0 : i32
    %scan3A_21 = arith.constant 0 : i32
    %scan3A_22 = arith.constant 20 : i32
    %scan3A_23 = arith.addi %scan3A_21, %scan3A_22 : i32
    %scan3A_24 = arith.constant 1 : i32
    scf.for %scan3A_37 = %scan3A_21 to %scan3A_23 step %scan3A_24  : i32 {
      %mul3A_38 = arith.constant 2 : i32
      %mul3A_39 = arith.muli %mul3A_38, %scan3A_37 : i32
      %add3A_40 = arith.constant 1 : i32
      %add3A_41 = arith.addi %mul3A_39, %add3A_40 : i32
      %dma_wait3A_42 = arith.constant 0 : i32
      %dma_wait3A_43 = arith.constant 0 : i32
      %dma_wait3A_44 = tpu.memref_slice %arg2[%add3A, %mul3A_39, %dma_wait3A_42, %dma_wait3A_43] : memref<32x40x128x128xf32, #tpu.memory_space<hbm>> -> memref<1x1x128x128xf32, #tpu.memory_space<hbm>>
      %dma_wait3A_45 = tpu.memref_squeeze %dma_wait3A_44 : memref<1x1x128x128xf32, #tpu.memory_space<hbm>> -> memref<128x128xf32, #tpu.memory_space<hbm>>
      %dma_wait3A_46 = arith.constant 0 : i32
      %dma_wait3A_47 = arith.constant 0 : i32
      %dma_wait3A_48 = tpu.memref_slice %arg2[%add3A, %mul3A_39, %dma_wait3A_46, %dma_wait3A_47] : memref<32x40x128x128xf32, #tpu.memory_space<hbm>> -> memref<1x1x128x128xf32, #tpu.memory_space<hbm>>
      %dma_wait3A_49 = tpu.memref_squeeze %dma_wait3A_48 : memref<1x1x128x128xf32, #tpu.memory_space<hbm>> -> memref<128x128xf32, #tpu.memory_space<hbm>>
      tpu.wait_dma2 semaphore(%arg9 : memref<!tpu.dma_semaphore, #tpu.memory_space<semaphore_mem>>) src(%dma_wait3A_49 : memref<128x128xf32, #tpu.memory_space<hbm>>) dst(%arg6 : memref<128x128xf32, #tpu.memory_space<vmem>>)
      %gt3A = arith.constant 0 : i32
      %gt3A_50 = arith.cmpi sgt, %scan3A_37, %gt3A : i32
      %convert_element_type3A = arith.extui %gt3A_50 : i1 to i32
      %cond3A = arith.constant 0 : i32
      %cond3A_51 = arith.cmpi ne, %convert_element_type3A, %cond3A : i32
      scf.if %cond3A_51 {
        %sub3A = arith.constant 2 : i32
        %sub3A_90 = arith.subi %add3A_41, %sub3A : i32
        %dma_wait3A_91 = arith.constant 0 : i32
        %dma_wait3A_92 = tpu.memref_slice %arg5[%sub3A_90, %dma_wait3A_91] : memref<40x128xi32, #tpu.memory_space<vmem>> -> memref<1x128xi32, #tpu.memory_space<vmem>>
        %dma_wait3A_93 = tpu.memref_squeeze %dma_wait3A_92 : memref<1x128xi32, #tpu.memory_space<vmem>> -> memref<128xi32, #tpu.memory_space<vmem>>
        %dma_wait3A_94 = arith.constant 0 : i32
        %dma_wait3A_95 = arith.constant 0 : i32
        %dma_wait3A_96 = tpu.memref_slice %arg8[%dma_wait3A_94, %dma_wait3A_95] : memref<10240x128xf32, #tpu.memory_space<vmem_shared>> -> memref<10240x128xf32, #tpu.memory_space<vmem_shared>>
        tpu.wait_indirect_dma semaphore(%arg12 : memref<!tpu.dma_semaphore, #tpu.memory_space<semaphore_mem>>) src(%arg7 : memref<128x128xf32, #tpu.memory_space<vmem>>) dst(%dma_wait3A_96 : memref<10240x128xf32, #tpu.memory_space<vmem_shared>>)
      } else {
      }
      %dma_start3A_52 = arith.constant 0 : i32
      %dma_start3A_53 = arith.constant 0 : i32
      %dma_start3A_54 = tpu.memref_slice %arg2[%add3A, %add3A_41, %dma_start3A_52, %dma_start3A_53] : memref<32x40x128x128xf32, #tpu.memory_space<hbm>> -> memref<1x1x128x128xf32, #tpu.memory_space<hbm>>
      %dma_start3A_55 = tpu.memref_squeeze %dma_start3A_54 : memref<1x1x128x128xf32, #tpu.memory_space<hbm>> -> memref<128x128xf32, #tpu.memory_space<hbm>>
      %dma_start3A_56 = arith.constant 0 : i32
      %dma_start3A_57 = arith.constant 0 : i32
      %dma_start3A_58 = tpu.memref_slice %arg2[%add3A, %add3A_41, %dma_start3A_56, %dma_start3A_57] : memref<32x40x128x128xf32, #tpu.memory_space<hbm>> -> memref<1x1x128x128xf32, #tpu.memory_space<hbm>>
      %dma_start3A_59 = tpu.memref_squeeze %dma_start3A_58 : memref<1x1x128x128xf32, #tpu.memory_space<hbm>> -> memref<128x128xf32, #tpu.memory_space<hbm>>
      tpu.enqueue_dma source(%dma_start3A_59 : memref<128x128xf32, #tpu.memory_space<hbm>>) target(%arg7 : memref<128x128xf32, #tpu.memory_space<vmem>>) target_semaphore(%arg10 : memref<!tpu.dma_semaphore, #tpu.memory_space<semaphore_mem>>)
      %dma_start3A_60 = arith.constant 0 : i32
      %dma_start3A_61 = tpu.memref_slice %arg5[%mul3A_39, %dma_start3A_60] : memref<40x128xi32, #tpu.memory_space<vmem>> -> memref<1x128xi32, #tpu.memory_space<vmem>>
      %dma_start3A_62 = tpu.memref_squeeze %dma_start3A_61 : memref<1x128xi32, #tpu.memory_space<vmem>> -> memref<128xi32, #tpu.memory_space<vmem>>
      %dma_start3A_63 = arith.constant 0 : i32
      %dma_start3A_64 = arith.constant 0 : i32
      %dma_start3A_65 = tpu.memref_slice %arg8[%dma_start3A_63, %dma_start3A_64] : memref<10240x128xf32, #tpu.memory_space<vmem_shared>> -> memref<10240x128xf32, #tpu.memory_space<vmem_shared>>
      tpu.enqueue_indirect_dma source(%arg6 : memref<128x128xf32, #tpu.memory_space<vmem>>) target(%dma_start3A_65 : memref<10240x128xf32, #tpu.memory_space<vmem_shared>>) offsets(%dma_start3A_62 : memref<128xi32, #tpu.memory_space<vmem>>) semaphore(%arg11 : memref<!tpu.dma_semaphore, #tpu.memory_space<semaphore_mem>>) {add = true}
      %dma_wait3A_66 = arith.constant 0 : i32
      %dma_wait3A_67 = arith.constant 0 : i32
      %dma_wait3A_68 = tpu.memref_slice %arg2[%add3A, %add3A_41, %dma_wait3A_66, %dma_wait3A_67] : memref<32x40x128x128xf32, #tpu.memory_space<hbm>> -> memref<1x1x128x128xf32, #tpu.memory_space<hbm>>
      %dma_wait3A_69 = tpu.memref_squeeze %dma_wait3A_68 : memref<1x1x128x128xf32, #tpu.memory_space<hbm>> -> memref<128x128xf32, #tpu.memory_space<hbm>>
      %dma_wait3A_70 = arith.constant 0 : i32
      %dma_wait3A_71 = arith.constant 0 : i32
      %dma_wait3A_72 = tpu.memref_slice %arg2[%add3A, %add3A_41, %dma_wait3A_70, %dma_wait3A_71] : memref<32x40x128x128xf32, #tpu.memory_space<hbm>> -> memref<1x1x128x128xf32, #tpu.memory_space<hbm>>
      %dma_wait3A_73 = tpu.memref_squeeze %dma_wait3A_72 : memref<1x1x128x128xf32, #tpu.memory_space<hbm>> -> memref<128x128xf32, #tpu.memory_space<hbm>>
      tpu.wait_dma2 semaphore(%arg10 : memref<!tpu.dma_semaphore, #tpu.memory_space<semaphore_mem>>) src(%dma_wait3A_73 : memref<128x128xf32, #tpu.memory_space<hbm>>) dst(%arg7 : memref<128x128xf32, #tpu.memory_space<vmem>>)
      %dma_wait3A_74 = arith.constant 0 : i32
      %dma_wait3A_75 = tpu.memref_slice %arg5[%mul3A_39, %dma_wait3A_74] : memref<40x128xi32, #tpu.memory_space<vmem>> -> memref<1x128xi32, #tpu.memory_space<vmem>>
      %dma_wait3A_76 = tpu.memref_squeeze %dma_wait3A_75 : memref<1x128xi32, #tpu.memory_space<vmem>> -> memref<128xi32, #tpu.memory_space<vmem>>
      %dma_wait3A_77 = arith.constant 0 : i32
      %dma_wait3A_78 = arith.constant 0 : i32
      %dma_wait3A_79 = tpu.memref_slice %arg8[%dma_wait3A_77, %dma_wait3A_78] : memref<10240x128xf32, #tpu.memory_space<vmem_shared>> -> memref<10240x128xf32, #tpu.memory_space<vmem_shared>>
      tpu.wait_indirect_dma semaphore(%arg11 : memref<!tpu.dma_semaphore, #tpu.memory_space<semaphore_mem>>) src(%arg6 : memref<128x128xf32, #tpu.memory_space<vmem>>) dst(%dma_wait3A_79 : memref<10240x128xf32, #tpu.memory_space<vmem_shared>>)
      %lt3A = arith.constant 19 : i32
      %lt3A_80 = arith.cmpi slt, %scan3A_37, %lt3A : i32
      %convert_element_type3A_81 = arith.extui %lt3A_80 : i1 to i32
      %cond3A_82 = arith.constant 0 : i32
      %cond3A_83 = arith.cmpi ne, %convert_element_type3A_81, %cond3A_82 : i32
      scf.if %cond3A_83 {
        %add3A_90 = arith.constant 2 : i32
        %add3A_91 = arith.addi %mul3A_39, %add3A_90 : i32
        %dma_start3A_92 = arith.constant 0 : i32
        %dma_start3A_93 = arith.constant 0 : i32
        %dma_start3A_94 = tpu.memref_slice %arg2[%add3A, %add3A_91, %dma_start3A_92, %dma_start3A_93] : memref<32x40x128x128xf32, #tpu.memory_space<hbm>> -> memref<1x1x128x128xf32, #tpu.memory_space<hbm>>
        %dma_start3A_95 = tpu.memref_squeeze %dma_start3A_94 : memref<1x1x128x128xf32, #tpu.memory_space<hbm>> -> memref<128x128xf32, #tpu.memory_space<hbm>>
        %dma_start3A_96 = arith.constant 0 : i32
        %dma_start3A_97 = arith.constant 0 : i32
        %dma_start3A_98 = tpu.memref_slice %arg2[%add3A, %add3A_91, %dma_start3A_96, %dma_start3A_97] : memref<32x40x128x128xf32, #tpu.memory_space<hbm>> -> memref<1x1x128x128xf32, #tpu.memory_space<hbm>>
        %dma_start3A_99 = tpu.memref_squeeze %dma_start3A_98 : memref<1x1x128x128xf32, #tpu.memory_space<hbm>> -> memref<128x128xf32, #tpu.memory_space<hbm>>
        tpu.enqueue_dma source(%dma_start3A_99 : memref<128x128xf32, #tpu.memory_space<hbm>>) target(%arg6 : memref<128x128xf32, #tpu.memory_space<vmem>>) target_semaphore(%arg9 : memref<!tpu.dma_semaphore, #tpu.memory_space<semaphore_mem>>)
      } else {
      }
      %dma_start3A_84 = arith.constant 0 : i32
      %dma_start3A_85 = tpu.memref_slice %arg5[%add3A_41, %dma_start3A_84] : memref<40x128xi32, #tpu.memory_space<vmem>> -> memref<1x128xi32, #tpu.memory_space<vmem>>
      %dma_start3A_86 = tpu.memref_squeeze %dma_start3A_85 : memref<1x128xi32, #tpu.memory_space<vmem>> -> memref<128xi32, #tpu.memory_space<vmem>>
      %dma_start3A_87 = arith.constant 0 : i32
      %dma_start3A_88 = arith.constant 0 : i32
      %dma_start3A_89 = tpu.memref_slice %arg8[%dma_start3A_87, %dma_start3A_88] : memref<10240x128xf32, #tpu.memory_space<vmem_shared>> -> memref<10240x128xf32, #tpu.memory_space<vmem_shared>>
      tpu.enqueue_indirect_dma source(%arg7 : memref<128x128xf32, #tpu.memory_space<vmem>>) target(%dma_start3A_89 : memref<10240x128xf32, #tpu.memory_space<vmem_shared>>) offsets(%dma_start3A_86 : memref<128xi32, #tpu.memory_space<vmem>>) semaphore(%arg12 : memref<!tpu.dma_semaphore, #tpu.memory_space<semaphore_mem>>) {add = true}
    }
    %scan3A_25 = arith.constant 20 : i32
    %dma_wait3A = arith.constant 39 : i32
    %dma_wait3A_26 = arith.constant 0 : i32
    %dma_wait3A_27 = tpu.memref_slice %arg5[%dma_wait3A, %dma_wait3A_26] : memref<40x128xi32, #tpu.memory_space<vmem>> -> memref<1x128xi32, #tpu.memory_space<vmem>>
    %dma_wait3A_28 = tpu.memref_squeeze %dma_wait3A_27 : memref<1x128xi32, #tpu.memory_space<vmem>> -> memref<128xi32, #tpu.memory_space<vmem>>
    %dma_wait3A_29 = arith.constant 0 : i32
    %dma_wait3A_30 = arith.constant 0 : i32
    %dma_wait3A_31 = tpu.memref_slice %arg8[%dma_wait3A_29, %dma_wait3A_30] : memref<10240x128xf32, #tpu.memory_space<vmem_shared>> -> memref<10240x128xf32, #tpu.memory_space<vmem_shared>>
    tpu.wait_indirect_dma semaphore(%arg12 : memref<!tpu.dma_semaphore, #tpu.memory_space<semaphore_mem>>) src(%arg7 : memref<128x128xf32, #tpu.memory_space<vmem>>) dst(%dma_wait3A_31 : memref<10240x128xf32, #tpu.memory_space<vmem_shared>>)
    %barrier3A_32 = arith.constant 0 : index
    tpu.barrier barrier_id(%barrier3A_32)
    %mul3A_33 = arith.constant 640 : i32
    %mul3A_34 = arith.muli %arg1, %mul3A_33 : i32
    %mul3A_35 = arith.constant 640 : i32
    %mul3A_36 = arith.muli %arg1, %mul3A_35 : i32
    "tpu.region"() ({
      %run_scoped3A = tpu.sem_alloc : memref<!tpu.dma_semaphore, #tpu.memory_space<semaphore_mem>>
      %dma_start3A_37 = arith.constant 0 : i32
      %dma_start3A_38 = tpu.memref_slice %arg4[%arg0, %mul3A_36, %dma_start3A_37] : memref<2x10240x128xf32, #tpu.memory_space<hbm>> -> memref<1x640x128xf32, #tpu.memory_space<hbm>>
      %dma_start3A_39 = tpu.memref_squeeze %dma_start3A_38 : memref<1x640x128xf32, #tpu.memory_space<hbm>> -> memref<640x128xf32, #tpu.memory_space<hbm>>
      %dma_start3A_40 = arith.constant 0 : i32
      %dma_start3A_41 = tpu.memref_slice %arg8[%mul3A_34, %dma_start3A_40] : memref<10240x128xf32, #tpu.memory_space<vmem_shared>> -> memref<640x128xf32, #tpu.memory_space<vmem_shared>>
      tpu.enqueue_dma source(%dma_start3A_41 : memref<640x128xf32, #tpu.memory_space<vmem_shared>>) target(%dma_start3A_39 : memref<640x128xf32, #tpu.memory_space<hbm>>) target_semaphore(%run_scoped3A : memref<!tpu.dma_semaphore, #tpu.memory_space<semaphore_mem>>)
      %dma_wait3A_42 = arith.constant 0 : i32
      %dma_wait3A_43 = tpu.memref_slice %arg4[%arg0, %mul3A_36, %dma_wait3A_42] : memref<2x10240x128xf32, #tpu.memory_space<hbm>> -> memref<1x640x128xf32, #tpu.memory_space<hbm>>
      %dma_wait3A_44 = tpu.memref_squeeze %dma_wait3A_43 : memref<1x640x128xf32, #tpu.memory_space<hbm>> -> memref<640x128xf32, #tpu.memory_space<hbm>>
      %dma_wait3A_45 = arith.constant 0 : i32
      %dma_wait3A_46 = tpu.memref_slice %arg8[%mul3A_34, %dma_wait3A_45] : memref<10240x128xf32, #tpu.memory_space<vmem_shared>> -> memref<640x128xf32, #tpu.memory_space<vmem_shared>>
      tpu.wait_dma2 semaphore(%run_scoped3A : memref<!tpu.dma_semaphore, #tpu.memory_space<semaphore_mem>>) src(%dma_wait3A_46 : memref<640x128xf32, #tpu.memory_space<vmem_shared>>) dst(%dma_wait3A_44 : memref<640x128xf32, #tpu.memory_space<hbm>>)
      tpu.yield
    }) : () -> ()
    return
  }
}

#map = affine_map<(d0, d1) -> (0, 0, 0, 0)>
#map1 = affine_map<(d0, d1) -> (0, 0, 0)>
module attributes {stable_mosaic.version = 14 : i64} {
  func.func @_sc_scatter_body(%arg0: i32, %arg1: i32, %arg2: memref<32x40x128x128xf32, #tpu.memory_space<hbm>>, %arg3: memref<32x40x128xi32, #tpu.memory_space<hbm>>, %arg4: memref<2x10240x128xf32, #tpu.memory_space<hbm>>, %arg5: memref<40x128xi32, #tpu.memory_space<vmem>>, %arg6: memref<128x128xf32, #tpu.memory_space<vmem>>, %arg7: memref<128x128xf32, #tpu.memory_space<vmem>>, %arg8: memref<10240x128xf32, #tpu.memory_space<vmem_shared>>, %arg9: memref<!tpu.dma_semaphore, #tpu.memory_space<semaphore_mem>>, %arg10: memref<!tpu.dma_semaphore, #tpu.memory_space<semaphore_mem>>, %arg11: memref<!tpu.dma_semaphore, #tpu.memory_space<semaphore_mem>>, %arg12: memref<!tpu.dma_semaphore, #tpu.memory_space<semaphore_mem>>) attributes {dimension_semantics = [#tpu.dimension_semantics<core_parallel>, #tpu.dimension_semantics<subcore_parallel>], iteration_bounds = array<i64: 2, 16>, scalar_prefetch = 0 : i64, scratch_operands = 8 : i64, tpu.core_type = #tpu.core_type<sc_vector_subcore>, window_params = [{transform_indices = #map}, {transform_indices = #map1}, {transform_indices = #map1}]} {
    %mul3A = arith.constant 2 : i32
    %mul3A_0 = arith.muli %arg1, %mul3A : i32
    %add3A = arith.addi %mul3A_0, %arg0 : i32
    %scan3A = arith.constant 0 : i32
    %scan3A_1 = arith.constant 0 : i32
    %scan3A_2 = arith.constant 1024 : i32
    %scan3A_3 = arith.addi %scan3A_1, %scan3A_2 : i32
    %scan3A_4 = arith.constant 1 : i32
    scf.for %scan3A_37 = %scan3A_1 to %scan3A_3 step %scan3A_4  : i32 {
      %broadcast_in_dim3A = arith.constant 0.000000e+00 : f32
      %broadcast_in_dim3A_38 = vector.broadcast %broadcast_in_dim3A : f32 to vector<16xf32>
      %jit3A = arith.constant 8 : i32
      %div3A = arith.divsi %scan3A_37, %jit3A : i32
      %sign3A = arith.constant 0 : i32
      %sign3A_39 = arith.cmpi sgt, %scan3A_37, %sign3A : i32
      %sign3A_40 = arith.extui %sign3A_39 : i1 to i32
      %sign3A_41 = arith.constant 0 : i32
      %sign3A_42 = arith.cmpi slt, %scan3A_37, %sign3A_41 : i32
      %sign3A_43 = arith.extui %sign3A_42 : i1 to i32
      %sign3A_44 = arith.subi %sign3A_40, %sign3A_43 : i32
      %sign3A_45 = arith.constant 0 : i32
      %sign3A_46 = arith.cmpi sgt, %jit3A, %sign3A_45 : i32
      %sign3A_47 = arith.extui %sign3A_46 : i1 to i32
      %sign3A_48 = arith.constant 0 : i32
      %sign3A_49 = arith.cmpi slt, %jit3A, %sign3A_48 : i32
      %sign3A_50 = arith.extui %sign3A_49 : i1 to i32
      %sign3A_51 = arith.subi %sign3A_47, %sign3A_50 : i32
      %ne3A = arith.cmpi ne, %sign3A_44, %sign3A_51 : i32
      %rem3A = arith.remsi %scan3A_37, %jit3A : i32
      %ne3A_52 = arith.constant 0 : i32
      %ne3A_53 = arith.cmpi ne, %rem3A, %ne3A_52 : i32
      %and3A = arith.andi %ne3A, %ne3A_53 : i1
      %sub3A = arith.constant 1 : i32
      %sub3A_54 = arith.subi %div3A, %sub3A : i32
      %select_n3A = arith.select %and3A, %sub3A_54, %div3A : i32
      %jit3A_55 = arith.constant 8 : i32
      %eq3A = arith.constant 0 : i32
      %eq3A_56 = arith.cmpi eq, %jit3A_55, %eq3A : i32
      %jit3A_57 = arith.constant 1 : i32
      %select_n3A_58 = arith.select %eq3A_56, %jit3A_57, %jit3A_55 : i32
      %rem3A_59 = arith.remsi %scan3A_37, %select_n3A_58 : i32
      %ne3A_60 = arith.constant 0 : i32
      %ne3A_61 = arith.cmpi ne, %rem3A_59, %ne3A_60 : i32
      %lt3A = arith.constant 0 : i32
      %lt3A_62 = arith.cmpi slt, %rem3A_59, %lt3A : i32
      %lt3A_63 = arith.constant 0 : i32
      %lt3A_64 = arith.cmpi slt, %select_n3A_58, %lt3A_63 : i32
      %ne3A_65 = arith.xori %lt3A_62, %lt3A_64 : i1
      %and3A_66 = arith.andi %ne3A_65, %ne3A_61 : i1
      %add3A_67 = arith.addi %rem3A_59, %select_n3A_58 : i32
      %select_n3A_68 = arith.select %and3A_66, %add3A_67, %rem3A_59 : i32
      %mul3A_69 = arith.constant 16 : i32
      %mul3A_70 = arith.muli %select_n3A_68, %mul3A_69 : i32
      %swap3A = arith.index_cast %select_n3A : i32 to index
      %swap3A_71 = arith.index_cast %mul3A_70 : i32 to index
      %swap3A_72 = tpu.vector_load %arg6[%swap3A, %swap3A_71] {strides = array<i32>} : memref<128x128xf32, #tpu.memory_space<vmem>>, vector<1x16xf32>,
      %swap3A_73 = vector.shape_cast %swap3A_72 : vector<1x16xf32> to vector<16xf32>
      %swap3A_74 = vector.shape_cast %broadcast_in_dim3A_38 : vector<16xf32> to vector<1x16xf32>
      tpu.vector_store %arg6[%swap3A, %swap3A_71], %swap3A_74 {strides = array<i32>} : memref<128x128xf32, #tpu.memory_space<vmem>>, vector<1x16xf32>,
    }
    %scan3A_5 = arith.constant 1024 : i32
    %scan3A_6 = arith.constant 0 : i32
    %scan3A_7 = arith.constant 0 : i32
    %scan3A_8 = arith.constant 5 : i32
    %scan3A_9 = arith.addi %scan3A_7, %scan3A_8 : i32
    %scan3A_10 = arith.constant 1 : i32
    scf.for %scan3A_37 = %scan3A_7 to %scan3A_9 step %scan3A_10  : i32 {
      %mul3A_38 = arith.constant 640 : i32
      %mul3A_39 = arith.muli %arg1, %mul3A_38 : i32
      %mul3A_40 = arith.constant 128 : i32
      %mul3A_41 = arith.muli %scan3A_37, %mul3A_40 : i32
      %add3A_42 = arith.addi %mul3A_39, %mul3A_41 : i32
      "tpu.region"() ({
        %run_scoped3A = tpu.sem_alloc : memref<!tpu.dma_semaphore, #tpu.memory_space<semaphore_mem>>
        %dma_start3A_43 = arith.constant 0 : i32
        %dma_start3A_44 = tpu.memref_slice %arg8[%add3A_42, %dma_start3A_43] : memref<10240x128xf32, #tpu.memory_space<vmem_shared>> -> memref<128x128xf32, #tpu.memory_space<vmem_shared>>
        %dma_start3A_45 = arith.constant 0 : i32
        %dma_start3A_46 = tpu.memref_slice %arg8[%add3A_42, %dma_start3A_45] : memref<10240x128xf32, #tpu.memory_space<vmem_shared>> -> memref<128x128xf32, #tpu.memory_space<vmem_shared>>
        tpu.enqueue_dma source(%arg6 : memref<128x128xf32, #tpu.memory_space<vmem>>) target(%dma_start3A_46 : memref<128x128xf32, #tpu.memory_space<vmem_shared>>) target_semaphore(%run_scoped3A : memref<!tpu.dma_semaphore, #tpu.memory_space<semaphore_mem>>)
        %dma_wait3A_47 = arith.constant 0 : i32
        %dma_wait3A_48 = tpu.memref_slice %arg8[%add3A_42, %dma_wait3A_47] : memref<10240x128xf32, #tpu.memory_space<vmem_shared>> -> memref<128x128xf32, #tpu.memory_space<vmem_shared>>
        %dma_wait3A_49 = arith.constant 0 : i32
        %dma_wait3A_50 = tpu.memref_slice %arg8[%add3A_42, %dma_wait3A_49] : memref<10240x128xf32, #tpu.memory_space<vmem_shared>> -> memref<128x128xf32, #tpu.memory_space<vmem_shared>>
        tpu.wait_dma2 semaphore(%run_scoped3A : memref<!tpu.dma_semaphore, #tpu.memory_space<semaphore_mem>>) src(%arg6 : memref<128x128xf32, #tpu.memory_space<vmem>>) dst(%dma_wait3A_50 : memref<128x128xf32, #tpu.memory_space<vmem_shared>>)
        tpu.yield
      }) : () -> ()
    }
    %scan3A_11 = arith.constant 5 : i32
    %barrier3A = arith.constant 0 : index
    tpu.barrier barrier_id(%barrier3A)
    "tpu.region"() ({
      %run_scoped3A = tpu.sem_alloc : memref<!tpu.dma_semaphore, #tpu.memory_space<semaphore_mem>>
      %dma_start3A_37 = arith.constant 0 : i32
      %dma_start3A_38 = arith.constant 0 : i32
      %dma_start3A_39 = tpu.memref_slice %arg3[%add3A, %dma_start3A_37, %dma_start3A_38] : memref<32x40x128xi32, #tpu.memory_space<hbm>> -> memref<1x40x128xi32, #tpu.memory_space<hbm>>
      %dma_start3A_40 = tpu.memref_squeeze %dma_start3A_39 : memref<1x40x128xi32, #tpu.memory_space<hbm>> -> memref<40x128xi32, #tpu.memory_space<hbm>>
      %dma_start3A_41 = arith.constant 0 : i32
      %dma_start3A_42 = arith.constant 0 : i32
      %dma_start3A_43 = tpu.memref_slice %arg3[%add3A, %dma_start3A_41, %dma_start3A_42] : memref<32x40x128xi32, #tpu.memory_space<hbm>> -> memref<1x40x128xi32, #tpu.memory_space<hbm>>
      %dma_start3A_44 = tpu.memref_squeeze %dma_start3A_43 : memref<1x40x128xi32, #tpu.memory_space<hbm>> -> memref<40x128xi32, #tpu.memory_space<hbm>>
      tpu.enqueue_dma source(%dma_start3A_44 : memref<40x128xi32, #tpu.memory_space<hbm>>) target(%arg5 : memref<40x128xi32, #tpu.memory_space<vmem>>) target_semaphore(%run_scoped3A : memref<!tpu.dma_semaphore, #tpu.memory_space<semaphore_mem>>)
      %dma_wait3A_45 = arith.constant 0 : i32
      %dma_wait3A_46 = arith.constant 0 : i32
      %dma_wait3A_47 = tpu.memref_slice %arg3[%add3A, %dma_wait3A_45, %dma_wait3A_46] : memref<32x40x128xi32, #tpu.memory_space<hbm>> -> memref<1x40x128xi32, #tpu.memory_space<hbm>>
      %dma_wait3A_48 = tpu.memref_squeeze %dma_wait3A_47 : memref<1x40x128xi32, #tpu.memory_space<hbm>> -> memref<40x128xi32, #tpu.memory_space<hbm>>
      %dma_wait3A_49 = arith.constant 0 : i32
      %dma_wait3A_50 = arith.constant 0 : i32
      %dma_wait3A_51 = tpu.memref_slice %arg3[%add3A, %dma_wait3A_49, %dma_wait3A_50] : memref<32x40x128xi32, #tpu.memory_space<hbm>> -> memref<1x40x128xi32, #tpu.memory_space<hbm>>
      %dma_wait3A_52 = tpu.memref_squeeze %dma_wait3A_51 : memref<1x40x128xi32, #tpu.memory_space<hbm>> -> memref<40x128xi32, #tpu.memory_space<hbm>>
      tpu.wait_dma2 semaphore(%run_scoped3A : memref<!tpu.dma_semaphore, #tpu.memory_space<semaphore_mem>>) src(%dma_wait3A_52 : memref<40x128xi32, #tpu.memory_space<hbm>>) dst(%arg5 : memref<40x128xi32, #tpu.memory_space<vmem>>)
      tpu.yield
    }) : () -> ()
    %dma_start3A = arith.constant 0 : i32
    %dma_start3A_12 = arith.constant 0 : i32
    %dma_start3A_13 = arith.constant 0 : i32
    %dma_start3A_14 = tpu.memref_slice %arg2[%add3A, %dma_start3A, %dma_start3A_12, %dma_start3A_13] : memref<32x40x128x128xf32, #tpu.memory_space<hbm>> -> memref<1x1x128x128xf32, #tpu.memory_space<hbm>>
    %dma_start3A_15 = tpu.memref_squeeze %dma_start3A_14 : memref<1x1x128x128xf32, #tpu.memory_space<hbm>> -> memref<128x128xf32, #tpu.memory_space<hbm>>
    %dma_start3A_16 = arith.constant 0 : i32
    %dma_start3A_17 = arith.constant 0 : i32
    %dma_start3A_18 = tpu.memref_slice %arg2[%add3A, %dma_start3A, %dma_start3A_16, %dma_start3A_17] : memref<32x40x128x128xf32, #tpu.memory_space<hbm>> -> memref<1x1x128x128xf32, #tpu.memory_space<hbm>>
    %dma_start3A_19 = tpu.memref_squeeze %dma_start3A_18 : memref<1x1x128x128xf32, #tpu.memory_space<hbm>> -> memref<128x128xf32, #tpu.memory_space<hbm>>
    tpu.enqueue_dma source(%dma_start3A_19 : memref<128x128xf32, #tpu.memory_space<hbm>>) target(%arg6 : memref<128x128xf32, #tpu.memory_space<vmem>>) target_semaphore(%arg9 : memref<!tpu.dma_semaphore, #tpu.memory_space<semaphore_mem>>)
    %scan3A_20 = arith.constant 0 : i32
    %scan3A_21 = arith.constant 0 : i32
    %scan3A_22 = arith.constant 20 : i32
    %scan3A_23 = arith.addi %scan3A_21, %scan3A_22 : i32
    %scan3A_24 = arith.constant 1 : i32
    scf.for %scan3A_37 = %scan3A_21 to %scan3A_23 step %scan3A_24  : i32 {
      %mul3A_38 = arith.constant 2 : i32
      %mul3A_39 = arith.muli %mul3A_38, %scan3A_37 : i32
      %add3A_40 = arith.constant 1 : i32
      %add3A_41 = arith.addi %mul3A_39, %add3A_40 : i32
      %dma_wait3A_42 = arith.constant 0 : i32
      %dma_wait3A_43 = arith.constant 0 : i32
      %dma_wait3A_44 = tpu.memref_slice %arg2[%add3A, %mul3A_39, %dma_wait3A_42, %dma_wait3A_43] : memref<32x40x128x128xf32, #tpu.memory_space<hbm>> -> memref<1x1x128x128xf32, #tpu.memory_space<hbm>>
      %dma_wait3A_45 = tpu.memref_squeeze %dma_wait3A_44 : memref<1x1x128x128xf32, #tpu.memory_space<hbm>> -> memref<128x128xf32, #tpu.memory_space<hbm>>
      %dma_wait3A_46 = arith.constant 0 : i32
      %dma_wait3A_47 = arith.constant 0 : i32
      %dma_wait3A_48 = tpu.memref_slice %arg2[%add3A, %mul3A_39, %dma_wait3A_46, %dma_wait3A_47] : memref<32x40x128x128xf32, #tpu.memory_space<hbm>> -> memref<1x1x128x128xf32, #tpu.memory_space<hbm>>
      %dma_wait3A_49 = tpu.memref_squeeze %dma_wait3A_48 : memref<1x1x128x128xf32, #tpu.memory_space<hbm>> -> memref<128x128xf32, #tpu.memory_space<hbm>>
      tpu.wait_dma2 semaphore(%arg9 : memref<!tpu.dma_semaphore, #tpu.memory_space<semaphore_mem>>) src(%dma_wait3A_49 : memref<128x128xf32, #tpu.memory_space<hbm>>) dst(%arg6 : memref<128x128xf32, #tpu.memory_space<vmem>>)
      %gt3A = arith.constant 0 : i32
      %gt3A_50 = arith.cmpi sgt, %scan3A_37, %gt3A : i32
      %convert_element_type3A = arith.extui %gt3A_50 : i1 to i32
      %cond3A = arith.constant 0 : i32
      %cond3A_51 = arith.cmpi ne, %convert_element_type3A, %cond3A : i32
      scf.if %cond3A_51 {
        %sub3A = arith.constant 2 : i32
        %sub3A_90 = arith.subi %add3A_41, %sub3A : i32
        %dma_wait3A_91 = arith.constant 0 : i32
        %dma_wait3A_92 = tpu.memref_slice %arg5[%sub3A_90, %dma_wait3A_91] : memref<40x128xi32, #tpu.memory_space<vmem>> -> memref<1x128xi32, #tpu.memory_space<vmem>>
        %dma_wait3A_93 = tpu.memref_squeeze %dma_wait3A_92 : memref<1x128xi32, #tpu.memory_space<vmem>> -> memref<128xi32, #tpu.memory_space<vmem>>
        %dma_wait3A_94 = arith.constant 0 : i32
        %dma_wait3A_95 = arith.constant 0 : i32
        %dma_wait3A_96 = tpu.memref_slice %arg8[%dma_wait3A_94, %dma_wait3A_95] : memref<10240x128xf32, #tpu.memory_space<vmem_shared>> -> memref<10240x128xf32, #tpu.memory_space<vmem_shared>>
        tpu.wait_indirect_dma semaphore(%arg12 : memref<!tpu.dma_semaphore, #tpu.memory_space<semaphore_mem>>) src(%arg7 : memref<128x128xf32, #tpu.memory_space<vmem>>) dst(%dma_wait3A_96 : memref<10240x128xf32, #tpu.memory_space<vmem_shared>>)
      } else {
      }
      %dma_start3A_52 = arith.constant 0 : i32
      %dma_start3A_53 = arith.constant 0 : i32
      %dma_start3A_54 = tpu.memref_slice %arg2[%add3A, %add3A_41, %dma_start3A_52, %dma_start3A_53] : memref<32x40x128x128xf32, #tpu.memory_space<hbm>> -> memref<1x1x128x128xf32, #tpu.memory_space<hbm>>
      %dma_start3A_55 = tpu.memref_squeeze %dma_start3A_54 : memref<1x1x128x128xf32, #tpu.memory_space<hbm>> -> memref<128x128xf32, #tpu.memory_space<hbm>>
      %dma_start3A_56 = arith.constant 0 : i32
      %dma_start3A_57 = arith.constant 0 : i32
      %dma_start3A_58 = tpu.memref_slice %arg2[%add3A, %add3A_41, %dma_start3A_56, %dma_start3A_57] : memref<32x40x128x128xf32, #tpu.memory_space<hbm>> -> memref<1x1x128x128xf32, #tpu.memory_space<hbm>>
      %dma_start3A_59 = tpu.memref_squeeze %dma_start3A_58 : memref<1x1x128x128xf32, #tpu.memory_space<hbm>> -> memref<128x128xf32, #tpu.memory_space<hbm>>
      tpu.enqueue_dma source(%dma_start3A_59 : memref<128x128xf32, #tpu.memory_space<hbm>>) target(%arg7 : memref<128x128xf32, #tpu.memory_space<vmem>>) target_semaphore(%arg10 : memref<!tpu.dma_semaphore, #tpu.memory_space<semaphore_mem>>)
      %dma_start3A_60 = arith.constant 0 : i32
      %dma_start3A_61 = tpu.memref_slice %arg5[%mul3A_39, %dma_start3A_60] : memref<40x128xi32, #tpu.memory_space<vmem>> -> memref<1x128xi32, #tpu.memory_space<vmem>>
      %dma_start3A_62 = tpu.memref_squeeze %dma_start3A_61 : memref<1x128xi32, #tpu.memory_space<vmem>> -> memref<128xi32, #tpu.memory_space<vmem>>
      %dma_start3A_63 = arith.constant 0 : i32
      %dma_start3A_64 = arith.constant 0 : i32
      %dma_start3A_65 = tpu.memref_slice %arg8[%dma_start3A_63, %dma_start3A_64] : memref<10240x128xf32, #tpu.memory_space<vmem_shared>> -> memref<10240x128xf32, #tpu.memory_space<vmem_shared>>
      tpu.enqueue_indirect_dma source(%arg6 : memref<128x128xf32, #tpu.memory_space<vmem>>) target(%dma_start3A_65 : memref<10240x128xf32, #tpu.memory_space<vmem_shared>>) offsets(%dma_start3A_62 : memref<128xi32, #tpu.memory_space<vmem>>) semaphore(%arg11 : memref<!tpu.dma_semaphore, #tpu.memory_space<semaphore_mem>>) {add = true}
      %dma_wait3A_66 = arith.constant 0 : i32
      %dma_wait3A_67 = arith.constant 0 : i32
      %dma_wait3A_68 = tpu.memref_slice %arg2[%add3A, %add3A_41, %dma_wait3A_66, %dma_wait3A_67] : memref<32x40x128x128xf32, #tpu.memory_space<hbm>> -> memref<1x1x128x128xf32, #tpu.memory_space<hbm>>
      %dma_wait3A_69 = tpu.memref_squeeze %dma_wait3A_68 : memref<1x1x128x128xf32, #tpu.memory_space<hbm>> -> memref<128x128xf32, #tpu.memory_space<hbm>>
      %dma_wait3A_70 = arith.constant 0 : i32
      %dma_wait3A_71 = arith.constant 0 : i32
      %dma_wait3A_72 = tpu.memref_slice %arg2[%add3A, %add3A_41, %dma_wait3A_70, %dma_wait3A_71] : memref<32x40x128x128xf32, #tpu.memory_space<hbm>> -> memref<1x1x128x128xf32, #tpu.memory_space<hbm>>
      %dma_wait3A_73 = tpu.memref_squeeze %dma_wait3A_72 : memref<1x1x128x128xf32, #tpu.memory_space<hbm>> -> memref<128x128xf32, #tpu.memory_space<hbm>>
      tpu.wait_dma2 semaphore(%arg10 : memref<!tpu.dma_semaphore, #tpu.memory_space<semaphore_mem>>) src(%dma_wait3A_73 : memref<128x128xf32, #tpu.memory_space<hbm>>) dst(%arg7 : memref<128x128xf32, #tpu.memory_space<vmem>>)
      %dma_wait3A_74 = arith.constant 0 : i32
      %dma_wait3A_75 = tpu.memref_slice %arg5[%mul3A_39, %dma_wait3A_74] : memref<40x128xi32, #tpu.memory_space<vmem>> -> memref<1x128xi32, #tpu.memory_space<vmem>>
      %dma_wait3A_76 = tpu.memref_squeeze %dma_wait3A_75 : memref<1x128xi32, #tpu.memory_space<vmem>> -> memref<128xi32, #tpu.memory_space<vmem>>
      %dma_wait3A_77 = arith.constant 0 : i32
      %dma_wait3A_78 = arith.constant 0 : i32
      %dma_wait3A_79 = tpu.memref_slice %arg8[%dma_wait3A_77, %dma_wait3A_78] : memref<10240x128xf32, #tpu.memory_space<vmem_shared>> -> memref<10240x128xf32, #tpu.memory_space<vmem_shared>>
      tpu.wait_indirect_dma semaphore(%arg11 : memref<!tpu.dma_semaphore, #tpu.memory_space<semaphore_mem>>) src(%arg6 : memref<128x128xf32, #tpu.memory_space<vmem>>) dst(%dma_wait3A_79 : memref<10240x128xf32, #tpu.memory_space<vmem_shared>>)
      %lt3A = arith.constant 19 : i32
      %lt3A_80 = arith.cmpi slt, %scan3A_37, %lt3A : i32
      %convert_element_type3A_81 = arith.extui %lt3A_80 : i1 to i32
      %cond3A_82 = arith.constant 0 : i32
      %cond3A_83 = arith.cmpi ne, %convert_element_type3A_81, %cond3A_82 : i32
      scf.if %cond3A_83 {
        %add3A_90 = arith.constant 2 : i32
        %add3A_91 = arith.addi %mul3A_39, %add3A_90 : i32
        %dma_start3A_92 = arith.constant 0 : i32
        %dma_start3A_93 = arith.constant 0 : i32
        %dma_start3A_94 = tpu.memref_slice %arg2[%add3A, %add3A_91, %dma_start3A_92, %dma_start3A_93] : memref<32x40x128x128xf32, #tpu.memory_space<hbm>> -> memref<1x1x128x128xf32, #tpu.memory_space<hbm>>
        %dma_start3A_95 = tpu.memref_squeeze %dma_start3A_94 : memref<1x1x128x128xf32, #tpu.memory_space<hbm>> -> memref<128x128xf32, #tpu.memory_space<hbm>>
        %dma_start3A_96 = arith.constant 0 : i32
        %dma_start3A_97 = arith.constant 0 : i32
        %dma_start3A_98 = tpu.memref_slice %arg2[%add3A, %add3A_91, %dma_start3A_96, %dma_start3A_97] : memref<32x40x128x128xf32, #tpu.memory_space<hbm>> -> memref<1x1x128x128xf32, #tpu.memory_space<hbm>>
        %dma_start3A_99 = tpu.memref_squeeze %dma_start3A_98 : memref<1x1x128x128xf32, #tpu.memory_space<hbm>> -> memref<128x128xf32, #tpu.memory_space<hbm>>
        tpu.enqueue_dma source(%dma_start3A_99 : memref<128x128xf32, #tpu.memory_space<hbm>>) target(%arg6 : memref<128x128xf32, #tpu.memory_space<vmem>>) target_semaphore(%arg9 : memref<!tpu.dma_semaphore, #tpu.memory_space<semaphore_mem>>)
      } else {
      }
      %dma_start3A_84 = arith.constant 0 : i32
      %dma_start3A_85 = tpu.memref_slice %arg5[%add3A_41, %dma_start3A_84] : memref<40x128xi32, #tpu.memory_space<vmem>> -> memref<1x128xi32, #tpu.memory_space<vmem>>
      %dma_start3A_86 = tpu.memref_squeeze %dma_start3A_85 : memref<1x128xi32, #tpu.memory_space<vmem>> -> memref<128xi32, #tpu.memory_space<vmem>>
      %dma_start3A_87 = arith.constant 0 : i32
      %dma_start3A_88 = arith.constant 0 : i32
      %dma_start3A_89 = tpu.memref_slice %arg8[%dma_start3A_87, %dma_start3A_88] : memref<10240x128xf32, #tpu.memory_space<vmem_shared>> -> memref<10240x128xf32, #tpu.memory_space<vmem_shared>>
      tpu.enqueue_indirect_dma source(%arg7 : memref<128x128xf32, #tpu.memory_space<vmem>>) target(%dma_start3A_89 : memref<10240x128xf32, #tpu.memory_space<vmem_shared>>) offsets(%dma_start3A_86 : memref<128xi32, #tpu.memory_space<vmem>>) semaphore(%arg12 : memref<!tpu.dma_semaphore, #tpu.memory_space<semaphore_mem>>) {add = true}
    }
    %scan3A_25 = arith.constant 20 : i32
    %dma_wait3A = arith.constant 39 : i32
    %dma_wait3A_26 = arith.constant 0 : i32
    %dma_wait3A_27 = tpu.memref_slice %arg5[%dma_wait3A, %dma_wait3A_26] : memref<40x128xi32, #tpu.memory_space<vmem>> -> memref<1x128xi32, #tpu.memory_space<vmem>>
    %dma_wait3A_28 = tpu.memref_squeeze %dma_wait3A_27 : memref<1x128xi32, #tpu.memory_space<vmem>> -> memref<128xi32, #tpu.memory_space<vmem>>
    %dma_wait3A_29 = arith.constant 0 : i32
    %dma_wait3A_30 = arith.constant 0 : i32
    %dma_wait3A_31 = tpu.memref_slice %arg8[%dma_wait3A_29, %dma_wait3A_30] : memref<10240x128xf32, #tpu.memory_space<vmem_shared>> -> memref<10240x128xf32, #tpu.memory_space<vmem_shared>>
    tpu.wait_indirect_dma semaphore(%arg12 : memref<!tpu.dma_semaphore, #tpu.memory_space<semaphore_mem>>) src(%arg7 : memref<128x128xf32, #tpu.memory_space<vmem>>) dst(%dma_wait3A_31 : memref<10240x128xf32, #tpu.memory_space<vmem_shared>>)
    %barrier3A_32 = arith.constant 0 : index
    tpu.barrier barrier_id(%barrier3A_32)
    %mul3A_33 = arith.constant 640 : i32
    %mul3A_34 = arith.muli %arg1, %mul3A_33 : i32
    %mul3A_35 = arith.constant 640 : i32
    %mul3A_36 = arith.muli %arg1, %mul3A_35 : i32
    "tpu.region"() ({
      %run_scoped3A = tpu.sem_alloc : memref<!tpu.dma_semaphore, #tpu.memory_space<semaphore_mem>>
      %dma_start3A_37 = arith.constant 0 : i32
      %dma_start3A_38 = tpu.memref_slice %arg4[%arg0, %mul3A_36, %dma_start3A_37] : memref<2x10240x128xf32, #tpu.memory_space<hbm>> -> memref<1x640x128xf32, #tpu.memory_space<hbm>>
      %dma_start3A_39 = tpu.memref_squeeze %dma_start3A_38 : memref<1x640x128xf32, #tpu.memory_space<hbm>> -> memref<640x128xf32, #tpu.memory_space<hbm>>
      %dma_start3A_40 = arith.constant 0 : i32
      %dma_start3A_41 = tpu.memref_slice %arg8[%mul3A_34, %dma_start3A_40] : memref<10240x128xf32, #tpu.memory_space<vmem_shared>> -> memref<640x128xf32, #tpu.memory_space<vmem_shared>>
      tpu.enqueue_dma source(%dma_start3A_41 : memref<640x128xf32, #tpu.memory_space<vmem_shared>>) target(%dma_start3A_39 : memref<640x128xf32, #tpu.memory_space<hbm>>) target_semaphore(%run_scoped3A : memref<!tpu.dma_semaphore, #tpu.memory_space<semaphore_mem>>)
      %dma_wait3A_42 = arith.constant 0 : i32
      %dma_wait3A_43 = tpu.memref_slice %arg4[%arg0, %mul3A_36, %dma_wait3A_42] : memref<2x10240x128xf32, #tpu.memory_space<hbm>> -> memref<1x640x128xf32, #tpu.memory_space<hbm>>
      %dma_wait3A_44 = tpu.memref_squeeze %dma_wait3A_43 : memref<1x640x128xf32, #tpu.memory_space<hbm>> -> memref<640x128xf32, #tpu.memory_space<hbm>>
      %dma_wait3A_45 = arith.constant 0 : i32
      %dma_wait3A_46 = tpu.memref_slice %arg8[%mul3A_34, %dma_wait3A_45] : memref<10240x128xf32, #tpu.memory_space<vmem_shared>> -> memref<640x128xf32, #tpu.memory_space<vmem_shared>>
      tpu.wait_dma2 semaphore(%run_scoped3A : memref<!tpu.dma_semaphore, #tpu.memory_space<semaphore_mem>>) src(%dma_wait3A_46 : memref<640x128xf32, #tpu.memory_space<vmem_shared>>) dst(%dma_wait3A_44 : memref<640x128xf32, #tpu.memory_space<hbm>>)
      tpu.yield
    }) : () -> ()
    return
  }
}

#map = affine_map<(d0, d1) -> (0, 0)>
#map1 = affine_map<(d0, d1) -> (0, 0, 0)>
#map2 = affine_map<(d0, d1) -> (0, 0, 0, 0)>
module attributes {stable_mosaic.version = 14 : i64} {
  func.func @_sc_gather_body(%arg0: i32, %arg1: i32, %arg2: memref<10240x128xf32, #tpu.memory_space<hbm>>, %arg3: memref<32x40x128xi32, #tpu.memory_space<hbm>>, %arg4: memref<32x40x128x128xf32, #tpu.memory_space<hbm>>, %arg5: memref<40x128xi32, #tpu.memory_space<vmem>>, %arg6: memref<128x128xf32, #tpu.memory_space<vmem>>, %arg7: memref<128x128xf32, #tpu.memory_space<vmem>>, %arg8: memref<10240x128xf32, #tpu.memory_space<vmem_shared>>, %arg9: memref<!tpu.dma_semaphore, #tpu.memory_space<semaphore_mem>>, %arg10: memref<!tpu.dma_semaphore, #tpu.memory_space<semaphore_mem>>, %arg11: memref<!tpu.dma_semaphore, #tpu.memory_space<semaphore_mem>>, %arg12: memref<!tpu.dma_semaphore, #tpu.memory_space<semaphore_mem>>) attributes {dimension_semantics = [#tpu.dimension_semantics<core_parallel>, #tpu.dimension_semantics<subcore_parallel>], iteration_bounds = array<i64: 2, 16>, scalar_prefetch = 0 : i64, scratch_operands = 8 : i64, tpu.core_type = #tpu.core_type<sc_vector_subcore>, window_params = [{transform_indices = #map}, {transform_indices = #map1}, {transform_indices = #map2}]} {
    %mul3A = arith.constant 2 : i32
    %mul3A_0 = arith.muli %arg1, %mul3A : i32
    %add3A = arith.addi %mul3A_0, %arg0 : i32
    %mul3A_1 = arith.constant 640 : i32
    %mul3A_2 = arith.muli %arg1, %mul3A_1 : i32
    %mul3A_3 = arith.constant 640 : i32
    %mul3A_4 = arith.muli %arg1, %mul3A_3 : i32
    "tpu.region"() ({
      %run_scoped3A = tpu.sem_alloc : memref<!tpu.dma_semaphore, #tpu.memory_space<semaphore_mem>>
      %dma_start3A_24 = arith.constant 0 : i32
      %dma_start3A_25 = tpu.memref_slice %arg8[%mul3A_4, %dma_start3A_24] : memref<10240x128xf32, #tpu.memory_space<vmem_shared>> -> memref<640x128xf32, #tpu.memory_space<vmem_shared>>
      %dma_start3A_26 = arith.constant 0 : i32
      %dma_start3A_27 = tpu.memref_slice %arg2[%mul3A_2, %dma_start3A_26] : memref<10240x128xf32, #tpu.memory_space<hbm>> -> memref<640x128xf32, #tpu.memory_space<hbm>>
      tpu.enqueue_dma source(%dma_start3A_27 : memref<640x128xf32, #tpu.memory_space<hbm>>) target(%dma_start3A_25 : memref<640x128xf32, #tpu.memory_space<vmem_shared>>) target_semaphore(%run_scoped3A : memref<!tpu.dma_semaphore, #tpu.memory_space<semaphore_mem>>)
      %dma_wait3A_28 = arith.constant 0 : i32
      %dma_wait3A_29 = tpu.memref_slice %arg8[%mul3A_4, %dma_wait3A_28] : memref<10240x128xf32, #tpu.memory_space<vmem_shared>> -> memref<640x128xf32, #tpu.memory_space<vmem_shared>>
      %dma_wait3A_30 = arith.constant 0 : i32
      %dma_wait3A_31 = tpu.memref_slice %arg2[%mul3A_2, %dma_wait3A_30] : memref<10240x128xf32, #tpu.memory_space<hbm>> -> memref<640x128xf32, #tpu.memory_space<hbm>>
      tpu.wait_dma2 semaphore(%run_scoped3A : memref<!tpu.dma_semaphore, #tpu.memory_space<semaphore_mem>>) src(%dma_wait3A_31 : memref<640x128xf32, #tpu.memory_space<hbm>>) dst(%dma_wait3A_29 : memref<640x128xf32, #tpu.memory_space<vmem_shared>>)
      tpu.yield
    }) : () -> ()
    "tpu.region"() ({
      %run_scoped3A = tpu.sem_alloc : memref<!tpu.dma_semaphore, #tpu.memory_space<semaphore_mem>>
      %dma_start3A_24 = arith.constant 0 : i32
      %dma_start3A_25 = arith.constant 0 : i32
      %dma_start3A_26 = tpu.memref_slice %arg3[%add3A, %dma_start3A_24, %dma_start3A_25] : memref<32x40x128xi32, #tpu.memory_space<hbm>> -> memref<1x40x128xi32, #tpu.memory_space<hbm>>
      %dma_start3A_27 = tpu.memref_squeeze %dma_start3A_26 : memref<1x40x128xi32, #tpu.memory_space<hbm>> -> memref<40x128xi32, #tpu.memory_space<hbm>>
      %dma_start3A_28 = arith.constant 0 : i32
      %dma_start3A_29 = arith.constant 0 : i32
      %dma_start3A_30 = tpu.memref_slice %arg3[%add3A, %dma_start3A_28, %dma_start3A_29] : memref<32x40x128xi32, #tpu.memory_space<hbm>> -> memref<1x40x128xi32, #tpu.memory_space<hbm>>
      %dma_start3A_31 = tpu.memref_squeeze %dma_start3A_30 : memref<1x40x128xi32, #tpu.memory_space<hbm>> -> memref<40x128xi32, #tpu.memory_space<hbm>>
      tpu.enqueue_dma source(%dma_start3A_31 : memref<40x128xi32, #tpu.memory_space<hbm>>) target(%arg5 : memref<40x128xi32, #tpu.memory_space<vmem>>) target_semaphore(%run_scoped3A : memref<!tpu.dma_semaphore, #tpu.memory_space<semaphore_mem>>)
      %dma_wait3A_32 = arith.constant 0 : i32
      %dma_wait3A_33 = arith.constant 0 : i32
      %dma_wait3A_34 = tpu.memref_slice %arg3[%add3A, %dma_wait3A_32, %dma_wait3A_33] : memref<32x40x128xi32, #tpu.memory_space<hbm>> -> memref<1x40x128xi32, #tpu.memory_space<hbm>>
      %dma_wait3A_35 = tpu.memref_squeeze %dma_wait3A_34 : memref<1x40x128xi32, #tpu.memory_space<hbm>> -> memref<40x128xi32, #tpu.memory_space<hbm>>
      %dma_wait3A_36 = arith.constant 0 : i32
      %dma_wait3A_37 = arith.constant 0 : i32
      %dma_wait3A_38 = tpu.memref_slice %arg3[%add3A, %dma_wait3A_36, %dma_wait3A_37] : memref<32x40x128xi32, #tpu.memory_space<hbm>> -> memref<1x40x128xi32, #tpu.memory_space<hbm>>
      %dma_wait3A_39 = tpu.memref_squeeze %dma_wait3A_38 : memref<1x40x128xi32, #tpu.memory_space<hbm>> -> memref<40x128xi32, #tpu.memory_space<hbm>>
      tpu.wait_dma2 semaphore(%run_scoped3A : memref<!tpu.dma_semaphore, #tpu.memory_space<semaphore_mem>>) src(%dma_wait3A_39 : memref<40x128xi32, #tpu.memory_space<hbm>>) dst(%arg5 : memref<40x128xi32, #tpu.memory_space<vmem>>)
      tpu.yield
    }) : () -> ()
    %barrier3A = arith.constant 0 : index
    tpu.barrier barrier_id(%barrier3A)
    %dma_start3A = arith.constant 0 : i32
    %dma_start3A_5 = arith.constant 0 : i32
    %dma_start3A_6 = tpu.memref_slice %arg5[%dma_start3A, %dma_start3A_5] : memref<40x128xi32, #tpu.memory_space<vmem>> -> memref<1x128xi32, #tpu.memory_space<vmem>>
    %dma_start3A_7 = tpu.memref_squeeze %dma_start3A_6 : memref<1x128xi32, #tpu.memory_space<vmem>> -> memref<128xi32, #tpu.memory_space<vmem>>
    %dma_start3A_8 = arith.constant 0 : i32
    %dma_start3A_9 = arith.constant 0 : i32
    %dma_start3A_10 = tpu.memref_slice %arg8[%dma_start3A_8, %dma_start3A_9] : memref<10240x128xf32, #tpu.memory_space<vmem_shared>> -> memref<10240x128xf32, #tpu.memory_space<vmem_shared>>
    tpu.enqueue_indirect_dma source(%dma_start3A_10 : memref<10240x128xf32, #tpu.memory_space<vmem_shared>>) target(%arg6 : memref<128x128xf32, #tpu.memory_space<vmem>>) offsets(%dma_start3A_7 : memref<128xi32, #tpu.memory_space<vmem>>) semaphore(%arg9 : memref<!tpu.dma_semaphore, #tpu.memory_space<semaphore_mem>>)
    %scan3A = arith.constant 0 : i32
    %scan3A_11 = arith.constant 0 : i32
    %scan3A_12 = arith.constant 20 : i32
    %scan3A_13 = arith.addi %scan3A_11, %scan3A_12 : i32
    %scan3A_14 = arith.constant 1 : i32
    scf.for %scan3A_24 = %scan3A_11 to %scan3A_13 step %scan3A_14  : i32 {
      %mul3A_25 = arith.constant 2 : i32
      %mul3A_26 = arith.muli %mul3A_25, %scan3A_24 : i32
      %add3A_27 = arith.constant 1 : i32
      %add3A_28 = arith.addi %mul3A_26, %add3A_27 : i32
      %dma_wait3A_29 = arith.constant 0 : i32
      %dma_wait3A_30 = tpu.memref_slice %arg5[%mul3A_26, %dma_wait3A_29] : memref<40x128xi32, #tpu.memory_space<vmem>> -> memref<1x128xi32, #tpu.memory_space<vmem>>
      %dma_wait3A_31 = tpu.memref_squeeze %dma_wait3A_30 : memref<1x128xi32, #tpu.memory_space<vmem>> -> memref<128xi32, #tpu.memory_space<vmem>>
      %dma_wait3A_32 = arith.constant 0 : i32
      %dma_wait3A_33 = arith.constant 0 : i32
      %dma_wait3A_34 = tpu.memref_slice %arg8[%dma_wait3A_32, %dma_wait3A_33] : memref<10240x128xf32, #tpu.memory_space<vmem_shared>> -> memref<10240x128xf32, #tpu.memory_space<vmem_shared>>
      tpu.wait_indirect_dma semaphore(%arg9 : memref<!tpu.dma_semaphore, #tpu.memory_space<semaphore_mem>>) src(%dma_wait3A_34 : memref<10240x128xf32, #tpu.memory_space<vmem_shared>>) dst(%arg6 : memref<128x128xf32, #tpu.memory_space<vmem>>)
      %gt3A = arith.constant 0 : i32
      %gt3A_35 = arith.cmpi sgt, %scan3A_24, %gt3A : i32
      %convert_element_type3A = arith.extui %gt3A_35 : i1 to i32
      %cond3A = arith.constant 0 : i32
      %cond3A_36 = arith.cmpi ne, %convert_element_type3A, %cond3A : i32
      scf.if %cond3A_36 {
        %sub3A = arith.constant 2 : i32
        %sub3A_77 = arith.subi %add3A_28, %sub3A : i32
        %dma_wait3A_78 = arith.constant 0 : i32
        %dma_wait3A_79 = arith.constant 0 : i32
        %dma_wait3A_80 = tpu.memref_slice %arg4[%add3A, %sub3A_77, %dma_wait3A_78, %dma_wait3A_79] : memref<32x40x128x128xf32, #tpu.memory_space<hbm>> -> memref<1x1x128x128xf32, #tpu.memory_space<hbm>>
        %dma_wait3A_81 = tpu.memref_squeeze %dma_wait3A_80 : memref<1x1x128x128xf32, #tpu.memory_space<hbm>> -> memref<128x128xf32, #tpu.memory_space<hbm>>
        %dma_wait3A_82 = arith.constant 0 : i32
        %dma_wait3A_83 = arith.constant 0 : i32
        %dma_wait3A_84 = tpu.memref_slice %arg4[%add3A, %sub3A_77, %dma_wait3A_82, %dma_wait3A_83] : memref<32x40x128x128xf32, #tpu.memory_space<hbm>> -> memref<1x1x128x128xf32, #tpu.memory_space<hbm>>
        %dma_wait3A_85 = tpu.memref_squeeze %dma_wait3A_84 : memref<1x1x128x128xf32, #tpu.memory_space<hbm>> -> memref<128x128xf32, #tpu.memory_space<hbm>>
        tpu.wait_dma2 semaphore(%arg12 : memref<!tpu.dma_semaphore, #tpu.memory_space<semaphore_mem>>) src(%arg7 : memref<128x128xf32, #tpu.memory_space<vmem>>) dst(%dma_wait3A_85 : memref<128x128xf32, #tpu.memory_space<hbm>>)
      } else {
      }
      %dma_start3A_37 = arith.constant 0 : i32
      %dma_start3A_38 = tpu.memref_slice %arg5[%add3A_28, %dma_start3A_37] : memref<40x128xi32, #tpu.memory_space<vmem>> -> memref<1x128xi32, #tpu.memory_space<vmem>>
      %dma_start3A_39 = tpu.memref_squeeze %dma_start3A_38 : memref<1x128xi32, #tpu.memory_space<vmem>> -> memref<128xi32, #tpu.memory_space<vmem>>
      %dma_start3A_40 = arith.constant 0 : i32
      %dma_start3A_41 = arith.constant 0 : i32
      %dma_start3A_42 = tpu.memref_slice %arg8[%dma_start3A_40, %dma_start3A_41] : memref<10240x128xf32, #tpu.memory_space<vmem_shared>> -> memref<10240x128xf32, #tpu.memory_space<vmem_shared>>
      tpu.enqueue_indirect_dma source(%dma_start3A_42 : memref<10240x128xf32, #tpu.memory_space<vmem_shared>>) target(%arg7 : memref<128x128xf32, #tpu.memory_space<vmem>>) offsets(%dma_start3A_39 : memref<128xi32, #tpu.memory_space<vmem>>) semaphore(%arg10 : memref<!tpu.dma_semaphore, #tpu.memory_space<semaphore_mem>>)
      %dma_start3A_43 = arith.constant 0 : i32
      %dma_start3A_44 = arith.constant 0 : i32
      %dma_start3A_45 = tpu.memref_slice %arg4[%add3A, %mul3A_26, %dma_start3A_43, %dma_start3A_44] : memref<32x40x128x128xf32, #tpu.memory_space<hbm>> -> memref<1x1x128x128xf32, #tpu.memory_space<hbm>>
      %dma_start3A_46 = tpu.memref_squeeze %dma_start3A_45 : memref<1x1x128x128xf32, #tpu.memory_space<hbm>> -> memref<128x128xf32, #tpu.memory_space<hbm>>
      %dma_start3A_47 = arith.constant 0 : i32
      %dma_start3A_48 = arith.constant 0 : i32
      %dma_start3A_49 = tpu.memref_slice %arg4[%add3A, %mul3A_26, %dma_start3A_47, %dma_start3A_48] : memref<32x40x128x128xf32, #tpu.memory_space<hbm>> -> memref<1x1x128x128xf32, #tpu.memory_space<hbm>>
      %dma_start3A_50 = tpu.memref_squeeze %dma_start3A_49 : memref<1x1x128x128xf32, #tpu.memory_space<hbm>> -> memref<128x128xf32, #tpu.memory_space<hbm>>
      tpu.enqueue_dma source(%arg6 : memref<128x128xf32, #tpu.memory_space<vmem>>) target(%dma_start3A_50 : memref<128x128xf32, #tpu.memory_space<hbm>>) target_semaphore(%arg11 : memref<!tpu.dma_semaphore, #tpu.memory_space<semaphore_mem>>)
      %dma_wait3A_51 = arith.constant 0 : i32
      %dma_wait3A_52 = tpu.memref_slice %arg5[%add3A_28, %dma_wait3A_51] : memref<40x128xi32, #tpu.memory_space<vmem>> -> memref<1x128xi32, #tpu.memory_space<vmem>>
      %dma_wait3A_53 = tpu.memref_squeeze %dma_wait3A_52 : memref<1x128xi32, #tpu.memory_space<vmem>> -> memref<128xi32, #tpu.memory_space<vmem>>
      %dma_wait3A_54 = arith.constant 0 : i32
      %dma_wait3A_55 = arith.constant 0 : i32
      %dma_wait3A_56 = tpu.memref_slice %arg8[%dma_wait3A_54, %dma_wait3A_55] : memref<10240x128xf32, #tpu.memory_space<vmem_shared>> -> memref<10240x128xf32, #tpu.memory_space<vmem_shared>>
      tpu.wait_indirect_dma semaphore(%arg10 : memref<!tpu.dma_semaphore, #tpu.memory_space<semaphore_mem>>) src(%dma_wait3A_56 : memref<10240x128xf32, #tpu.memory_space<vmem_shared>>) dst(%arg7 : memref<128x128xf32, #tpu.memory_space<vmem>>)
      %dma_wait3A_57 = arith.constant 0 : i32
      %dma_wait3A_58 = arith.constant 0 : i32
      %dma_wait3A_59 = tpu.memref_slice %arg4[%add3A, %mul3A_26, %dma_wait3A_57, %dma_wait3A_58] : memref<32x40x128x128xf32, #tpu.memory_space<hbm>> -> memref<1x1x128x128xf32, #tpu.memory_space<hbm>>
      %dma_wait3A_60 = tpu.memref_squeeze %dma_wait3A_59 : memref<1x1x128x128xf32, #tpu.memory_space<hbm>> -> memref<128x128xf32, #tpu.memory_space<hbm>>
      %dma_wait3A_61 = arith.constant 0 : i32
      %dma_wait3A_62 = arith.constant 0 : i32
      %dma_wait3A_63 = tpu.memref_slice %arg4[%add3A, %mul3A_26, %dma_wait3A_61, %dma_wait3A_62] : memref<32x40x128x128xf32, #tpu.memory_space<hbm>> -> memref<1x1x128x128xf32, #tpu.memory_space<hbm>>
      %dma_wait3A_64 = tpu.memref_squeeze %dma_wait3A_63 : memref<1x1x128x128xf32, #tpu.memory_space<hbm>> -> memref<128x128xf32, #tpu.memory_space<hbm>>
      tpu.wait_dma2 semaphore(%arg11 : memref<!tpu.dma_semaphore, #tpu.memory_space<semaphore_mem>>) src(%arg6 : memref<128x128xf32, #tpu.memory_space<vmem>>) dst(%dma_wait3A_64 : memref<128x128xf32, #tpu.memory_space<hbm>>)
      %lt3A = arith.constant 19 : i32
      %lt3A_65 = arith.cmpi slt, %scan3A_24, %lt3A : i32
      %convert_element_type3A_66 = arith.extui %lt3A_65 : i1 to i32
      %cond3A_67 = arith.constant 0 : i32
      %cond3A_68 = arith.cmpi ne, %convert_element_type3A_66, %cond3A_67 : i32
      scf.if %cond3A_68 {
        %add3A_77 = arith.constant 2 : i32
        %add3A_78 = arith.addi %mul3A_26, %add3A_77 : i32
        %dma_start3A_79 = arith.constant 0 : i32
        %dma_start3A_80 = tpu.memref_slice %arg5[%add3A_78, %dma_start3A_79] : memref<40x128xi32, #tpu.memory_space<vmem>> -> memref<1x128xi32, #tpu.memory_space<vmem>>
        %dma_start3A_81 = tpu.memref_squeeze %dma_start3A_80 : memref<1x128xi32, #tpu.memory_space<vmem>> -> memref<128xi32, #tpu.memory_space<vmem>>
        %dma_start3A_82 = arith.constant 0 : i32
        %dma_start3A_83 = arith.constant 0 : i32
        %dma_start3A_84 = tpu.memref_slice %arg8[%dma_start3A_82, %dma_start3A_83] : memref<10240x128xf32, #tpu.memory_space<vmem_shared>> -> memref<10240x128xf32, #tpu.memory_space<vmem_shared>>
        tpu.enqueue_indirect_dma source(%dma_start3A_84 : memref<10240x128xf32, #tpu.memory_space<vmem_shared>>) target(%arg6 : memref<128x128xf32, #tpu.memory_space<vmem>>) offsets(%dma_start3A_81 : memref<128xi32, #tpu.memory_space<vmem>>) semaphore(%arg9 : memref<!tpu.dma_semaphore, #tpu.memory_space<semaphore_mem>>)
      } else {
      }
      %dma_start3A_69 = arith.constant 0 : i32
      %dma_start3A_70 = arith.constant 0 : i32
      %dma_start3A_71 = tpu.memref_slice %arg4[%add3A, %add3A_28, %dma_start3A_69, %dma_start3A_70] : memref<32x40x128x128xf32, #tpu.memory_space<hbm>> -> memref<1x1x128x128xf32, #tpu.memory_space<hbm>>
      %dma_start3A_72 = tpu.memref_squeeze %dma_start3A_71 : memref<1x1x128x128xf32, #tpu.memory_space<hbm>> -> memref<128x128xf32, #tpu.memory_space<hbm>>
      %dma_start3A_73 = arith.constant 0 : i32
      %dma_start3A_74 = arith.constant 0 : i32
      %dma_start3A_75 = tpu.memref_slice %arg4[%add3A, %add3A_28, %dma_start3A_73, %dma_start3A_74] : memref<32x40x128x128xf32, #tpu.memory_space<hbm>> -> memref<1x1x128x128xf32, #tpu.memory_space<hbm>>
      %dma_start3A_76 = tpu.memref_squeeze %dma_start3A_75 : memref<1x1x128x128xf32, #tpu.memory_space<hbm>> -> memref<128x128xf32, #tpu.memory_space<hbm>>
      tpu.enqueue_dma source(%arg7 : memref<128x128xf32, #tpu.memory_space<vmem>>) target(%dma_start3A_76 : memref<128x128xf32, #tpu.memory_space<hbm>>) target_semaphore(%arg12 : memref<!tpu.dma_semaphore, #tpu.memory_space<semaphore_mem>>)
    }
    %scan3A_15 = arith.constant 20 : i32
    %dma_wait3A = arith.constant 39 : i32
    %dma_wait3A_16 = arith.constant 0 : i32
    %dma_wait3A_17 = arith.constant 0 : i32
    %dma_wait3A_18 = tpu.memref_slice %arg4[%add3A, %dma_wait3A, %dma_wait3A_16, %dma_wait3A_17] : memref<32x40x128x128xf32, #tpu.memory_space<hbm>> -> memref<1x1x128x128xf32, #tpu.memory_space<hbm>>
    %dma_wait3A_19 = tpu.memref_squeeze %dma_wait3A_18 : memref<1x1x128x128xf32, #tpu.memory_space<hbm>> -> memref<128x128xf32, #tpu.memory_space<hbm>>
    %dma_wait3A_20 = arith.constant 0 : i32
    %dma_wait3A_21 = arith.constant 0 : i32
    %dma_wait3A_22 = tpu.memref_slice %arg4[%add3A, %dma_wait3A, %dma_wait3A_20, %dma_wait3A_21] : memref<32x40x128x128xf32, #tpu.memory_space<hbm>> -> memref<1x1x128x128xf32, #tpu.memory_space<hbm>>
    %dma_wait3A_23 = tpu.memref_squeeze %dma_wait3A_22 : memref<1x1x128x128xf32, #tpu.memory_space<hbm>> -> memref<128x128xf32, #tpu.memory_space<hbm>>
    tpu.wait_dma2 semaphore(%arg12 : memref<!tpu.dma_semaphore, #tpu.memory_space<semaphore_mem>>) src(%arg7 : memref<128x128xf32, #tpu.memory_space<vmem>>) dst(%dma_wait3A_23 : memref<128x128xf32, #tpu.memory_space<hbm>>)
    return
  }
}

#map = affine_map<(d0, d1) -> (0, 0)>
#map1 = affine_map<(d0, d1) -> (0, 0, 0)>
#map2 = affine_map<(d0, d1) -> (0, 0, 0, 0)>
module attributes {stable_mosaic.version = 14 : i64} {
  func.func @_sc_gather_body(%arg0: i32, %arg1: i32, %arg2: memref<10240x128xf32, #tpu.memory_space<hbm>>, %arg3: memref<32x40x128xi32, #tpu.memory_space<hbm>>, %arg4: memref<32x40x128x128xf32, #tpu.memory_space<hbm>>, %arg5: memref<40x128xi32, #tpu.memory_space<vmem>>, %arg6: memref<128x128xf32, #tpu.memory_space<vmem>>, %arg7: memref<128x128xf32, #tpu.memory_space<vmem>>, %arg8: memref<10240x128xf32, #tpu.memory_space<vmem_shared>>, %arg9: memref<!tpu.dma_semaphore, #tpu.memory_space<semaphore_mem>>, %arg10: memref<!tpu.dma_semaphore, #tpu.memory_space<semaphore_mem>>, %arg11: memref<!tpu.dma_semaphore, #tpu.memory_space<semaphore_mem>>, %arg12: memref<!tpu.dma_semaphore, #tpu.memory_space<semaphore_mem>>) attributes {dimension_semantics = [#tpu.dimension_semantics<core_parallel>, #tpu.dimension_semantics<subcore_parallel>], iteration_bounds = array<i64: 2, 16>, scalar_prefetch = 0 : i64, scratch_operands = 8 : i64, tpu.core_type = #tpu.core_type<sc_vector_subcore>, window_params = [{transform_indices = #map}, {transform_indices = #map1}, {transform_indices = #map2}]} {
    %mul3A = arith.constant 2 : i32
    %mul3A_0 = arith.muli %arg1, %mul3A : i32
    %add3A = arith.addi %mul3A_0, %arg0 : i32
    %mul3A_1 = arith.constant 640 : i32
    %mul3A_2 = arith.muli %arg1, %mul3A_1 : i32
    %mul3A_3 = arith.constant 640 : i32
    %mul3A_4 = arith.muli %arg1, %mul3A_3 : i32
    "tpu.region"() ({
      %run_scoped3A = tpu.sem_alloc : memref<!tpu.dma_semaphore, #tpu.memory_space<semaphore_mem>>
      %dma_start3A_24 = arith.constant 0 : i32
      %dma_start3A_25 = tpu.memref_slice %arg8[%mul3A_4, %dma_start3A_24] : memref<10240x128xf32, #tpu.memory_space<vmem_shared>> -> memref<640x128xf32, #tpu.memory_space<vmem_shared>>
      %dma_start3A_26 = arith.constant 0 : i32
      %dma_start3A_27 = tpu.memref_slice %arg2[%mul3A_2, %dma_start3A_26] : memref<10240x128xf32, #tpu.memory_space<hbm>> -> memref<640x128xf32, #tpu.memory_space<hbm>>
      tpu.enqueue_dma source(%dma_start3A_27 : memref<640x128xf32, #tpu.memory_space<hbm>>) target(%dma_start3A_25 : memref<640x128xf32, #tpu.memory_space<vmem_shared>>) target_semaphore(%run_scoped3A : memref<!tpu.dma_semaphore, #tpu.memory_space<semaphore_mem>>)
      %dma_wait3A_28 = arith.constant 0 : i32
      %dma_wait3A_29 = tpu.memref_slice %arg8[%mul3A_4, %dma_wait3A_28] : memref<10240x128xf32, #tpu.memory_space<vmem_shared>> -> memref<640x128xf32, #tpu.memory_space<vmem_shared>>
      %dma_wait3A_30 = arith.constant 0 : i32
      %dma_wait3A_31 = tpu.memref_slice %arg2[%mul3A_2, %dma_wait3A_30] : memref<10240x128xf32, #tpu.memory_space<hbm>> -> memref<640x128xf32, #tpu.memory_space<hbm>>
      tpu.wait_dma2 semaphore(%run_scoped3A : memref<!tpu.dma_semaphore, #tpu.memory_space<semaphore_mem>>) src(%dma_wait3A_31 : memref<640x128xf32, #tpu.memory_space<hbm>>) dst(%dma_wait3A_29 : memref<640x128xf32, #tpu.memory_space<vmem_shared>>)
      tpu.yield
    }) : () -> ()
    "tpu.region"() ({
      %run_scoped3A = tpu.sem_alloc : memref<!tpu.dma_semaphore, #tpu.memory_space<semaphore_mem>>
      %dma_start3A_24 = arith.constant 0 : i32
      %dma_start3A_25 = arith.constant 0 : i32
      %dma_start3A_26 = tpu.memref_slice %arg3[%add3A, %dma_start3A_24, %dma_start3A_25] : memref<32x40x128xi32, #tpu.memory_space<hbm>> -> memref<1x40x128xi32, #tpu.memory_space<hbm>>
      %dma_start3A_27 = tpu.memref_squeeze %dma_start3A_26 : memref<1x40x128xi32, #tpu.memory_space<hbm>> -> memref<40x128xi32, #tpu.memory_space<hbm>>
      %dma_start3A_28 = arith.constant 0 : i32
      %dma_start3A_29 = arith.constant 0 : i32
      %dma_start3A_30 = tpu.memref_slice %arg3[%add3A, %dma_start3A_28, %dma_start3A_29] : memref<32x40x128xi32, #tpu.memory_space<hbm>> -> memref<1x40x128xi32, #tpu.memory_space<hbm>>
      %dma_start3A_31 = tpu.memref_squeeze %dma_start3A_30 : memref<1x40x128xi32, #tpu.memory_space<hbm>> -> memref<40x128xi32, #tpu.memory_space<hbm>>
      tpu.enqueue_dma source(%dma_start3A_31 : memref<40x128xi32, #tpu.memory_space<hbm>>) target(%arg5 : memref<40x128xi32, #tpu.memory_space<vmem>>) target_semaphore(%run_scoped3A : memref<!tpu.dma_semaphore, #tpu.memory_space<semaphore_mem>>)
      %dma_wait3A_32 = arith.constant 0 : i32
      %dma_wait3A_33 = arith.constant 0 : i32
      %dma_wait3A_34 = tpu.memref_slice %arg3[%add3A, %dma_wait3A_32, %dma_wait3A_33] : memref<32x40x128xi32, #tpu.memory_space<hbm>> -> memref<1x40x128xi32, #tpu.memory_space<hbm>>
      %dma_wait3A_35 = tpu.memref_squeeze %dma_wait3A_34 : memref<1x40x128xi32, #tpu.memory_space<hbm>> -> memref<40x128xi32, #tpu.memory_space<hbm>>
      %dma_wait3A_36 = arith.constant 0 : i32
      %dma_wait3A_37 = arith.constant 0 : i32
      %dma_wait3A_38 = tpu.memref_slice %arg3[%add3A, %dma_wait3A_36, %dma_wait3A_37] : memref<32x40x128xi32, #tpu.memory_space<hbm>> -> memref<1x40x128xi32, #tpu.memory_space<hbm>>
      %dma_wait3A_39 = tpu.memref_squeeze %dma_wait3A_38 : memref<1x40x128xi32, #tpu.memory_space<hbm>> -> memref<40x128xi32, #tpu.memory_space<hbm>>
      tpu.wait_dma2 semaphore(%run_scoped3A : memref<!tpu.dma_semaphore, #tpu.memory_space<semaphore_mem>>) src(%dma_wait3A_39 : memref<40x128xi32, #tpu.memory_space<hbm>>) dst(%arg5 : memref<40x128xi32, #tpu.memory_space<vmem>>)
      tpu.yield
    }) : () -> ()
    %barrier3A = arith.constant 0 : index
    tpu.barrier barrier_id(%barrier3A)
    %dma_start3A = arith.constant 0 : i32
    %dma_start3A_5 = arith.constant 0 : i32
    %dma_start3A_6 = tpu.memref_slice %arg5[%dma_start3A, %dma_start3A_5] : memref<40x128xi32, #tpu.memory_space<vmem>> -> memref<1x128xi32, #tpu.memory_space<vmem>>
    %dma_start3A_7 = tpu.memref_squeeze %dma_start3A_6 : memref<1x128xi32, #tpu.memory_space<vmem>> -> memref<128xi32, #tpu.memory_space<vmem>>
    %dma_start3A_8 = arith.constant 0 : i32
    %dma_start3A_9 = arith.constant 0 : i32
    %dma_start3A_10 = tpu.memref_slice %arg8[%dma_start3A_8, %dma_start3A_9] : memref<10240x128xf32, #tpu.memory_space<vmem_shared>> -> memref<10240x128xf32, #tpu.memory_space<vmem_shared>>
    tpu.enqueue_indirect_dma source(%dma_start3A_10 : memref<10240x128xf32, #tpu.memory_space<vmem_shared>>) target(%arg6 : memref<128x128xf32, #tpu.memory_space<vmem>>) offsets(%dma_start3A_7 : memref<128xi32, #tpu.memory_space<vmem>>) semaphore(%arg9 : memref<!tpu.dma_semaphore, #tpu.memory_space<semaphore_mem>>)
    %scan3A = arith.constant 0 : i32
    %scan3A_11 = arith.constant 0 : i32
    %scan3A_12 = arith.constant 20 : i32
    %scan3A_13 = arith.addi %scan3A_11, %scan3A_12 : i32
    %scan3A_14 = arith.constant 1 : i32
    scf.for %scan3A_24 = %scan3A_11 to %scan3A_13 step %scan3A_14  : i32 {
      %mul3A_25 = arith.constant 2 : i32
      %mul3A_26 = arith.muli %mul3A_25, %scan3A_24 : i32
      %add3A_27 = arith.constant 1 : i32
      %add3A_28 = arith.addi %mul3A_26, %add3A_27 : i32
      %dma_wait3A_29 = arith.constant 0 : i32
      %dma_wait3A_30 = tpu.memref_slice %arg5[%mul3A_26, %dma_wait3A_29] : memref<40x128xi32, #tpu.memory_space<vmem>> -> memref<1x128xi32, #tpu.memory_space<vmem>>
      %dma_wait3A_31 = tpu.memref_squeeze %dma_wait3A_30 : memref<1x128xi32, #tpu.memory_space<vmem>> -> memref<128xi32, #tpu.memory_space<vmem>>
      %dma_wait3A_32 = arith.constant 0 : i32
      %dma_wait3A_33 = arith.constant 0 : i32
      %dma_wait3A_34 = tpu.memref_slice %arg8[%dma_wait3A_32, %dma_wait3A_33] : memref<10240x128xf32, #tpu.memory_space<vmem_shared>> -> memref<10240x128xf32, #tpu.memory_space<vmem_shared>>
      tpu.wait_indirect_dma semaphore(%arg9 : memref<!tpu.dma_semaphore, #tpu.memory_space<semaphore_mem>>) src(%dma_wait3A_34 : memref<10240x128xf32, #tpu.memory_space<vmem_shared>>) dst(%arg6 : memref<128x128xf32, #tpu.memory_space<vmem>>)
      %gt3A = arith.constant 0 : i32
      %gt3A_35 = arith.cmpi sgt, %scan3A_24, %gt3A : i32
      %convert_element_type3A = arith.extui %gt3A_35 : i1 to i32
      %cond3A = arith.constant 0 : i32
      %cond3A_36 = arith.cmpi ne, %convert_element_type3A, %cond3A : i32
      scf.if %cond3A_36 {
        %sub3A = arith.constant 2 : i32
        %sub3A_77 = arith.subi %add3A_28, %sub3A : i32
        %dma_wait3A_78 = arith.constant 0 : i32
        %dma_wait3A_79 = arith.constant 0 : i32
        %dma_wait3A_80 = tpu.memref_slice %arg4[%add3A, %sub3A_77, %dma_wait3A_78, %dma_wait3A_79] : memref<32x40x128x128xf32, #tpu.memory_space<hbm>> -> memref<1x1x128x128xf32, #tpu.memory_space<hbm>>
        %dma_wait3A_81 = tpu.memref_squeeze %dma_wait3A_80 : memref<1x1x128x128xf32, #tpu.memory_space<hbm>> -> memref<128x128xf32, #tpu.memory_space<hbm>>
        %dma_wait3A_82 = arith.constant 0 : i32
        %dma_wait3A_83 = arith.constant 0 : i32
        %dma_wait3A_84 = tpu.memref_slice %arg4[%add3A, %sub3A_77, %dma_wait3A_82, %dma_wait3A_83] : memref<32x40x128x128xf32, #tpu.memory_space<hbm>> -> memref<1x1x128x128xf32, #tpu.memory_space<hbm>>
        %dma_wait3A_85 = tpu.memref_squeeze %dma_wait3A_84 : memref<1x1x128x128xf32, #tpu.memory_space<hbm>> -> memref<128x128xf32, #tpu.memory_space<hbm>>
        tpu.wait_dma2 semaphore(%arg12 : memref<!tpu.dma_semaphore, #tpu.memory_space<semaphore_mem>>) src(%arg7 : memref<128x128xf32, #tpu.memory_space<vmem>>) dst(%dma_wait3A_85 : memref<128x128xf32, #tpu.memory_space<hbm>>)
      } else {
      }
      %dma_start3A_37 = arith.constant 0 : i32
      %dma_start3A_38 = tpu.memref_slice %arg5[%add3A_28, %dma_start3A_37] : memref<40x128xi32, #tpu.memory_space<vmem>> -> memref<1x128xi32, #tpu.memory_space<vmem>>
      %dma_start3A_39 = tpu.memref_squeeze %dma_start3A_38 : memref<1x128xi32, #tpu.memory_space<vmem>> -> memref<128xi32, #tpu.memory_space<vmem>>
      %dma_start3A_40 = arith.constant 0 : i32
      %dma_start3A_41 = arith.constant 0 : i32
      %dma_start3A_42 = tpu.memref_slice %arg8[%dma_start3A_40, %dma_start3A_41] : memref<10240x128xf32, #tpu.memory_space<vmem_shared>> -> memref<10240x128xf32, #tpu.memory_space<vmem_shared>>
      tpu.enqueue_indirect_dma source(%dma_start3A_42 : memref<10240x128xf32, #tpu.memory_space<vmem_shared>>) target(%arg7 : memref<128x128xf32, #tpu.memory_space<vmem>>) offsets(%dma_start3A_39 : memref<128xi32, #tpu.memory_space<vmem>>) semaphore(%arg10 : memref<!tpu.dma_semaphore, #tpu.memory_space<semaphore_mem>>)
      %dma_start3A_43 = arith.constant 0 : i32
      %dma_start3A_44 = arith.constant 0 : i32
      %dma_start3A_45 = tpu.memref_slice %arg4[%add3A, %mul3A_26, %dma_start3A_43, %dma_start3A_44] : memref<32x40x128x128xf32, #tpu.memory_space<hbm>> -> memref<1x1x128x128xf32, #tpu.memory_space<hbm>>
      %dma_start3A_46 = tpu.memref_squeeze %dma_start3A_45 : memref<1x1x128x128xf32, #tpu.memory_space<hbm>> -> memref<128x128xf32, #tpu.memory_space<hbm>>
      %dma_start3A_47 = arith.constant 0 : i32
      %dma_start3A_48 = arith.constant 0 : i32
      %dma_start3A_49 = tpu.memref_slice %arg4[%add3A, %mul3A_26, %dma_start3A_47, %dma_start3A_48] : memref<32x40x128x128xf32, #tpu.memory_space<hbm>> -> memref<1x1x128x128xf32, #tpu.memory_space<hbm>>
      %dma_start3A_50 = tpu.memref_squeeze %dma_start3A_49 : memref<1x1x128x128xf32, #tpu.memory_space<hbm>> -> memref<128x128xf32, #tpu.memory_space<hbm>>
      tpu.enqueue_dma source(%arg6 : memref<128x128xf32, #tpu.memory_space<vmem>>) target(%dma_start3A_50 : memref<128x128xf32, #tpu.memory_space<hbm>>) target_semaphore(%arg11 : memref<!tpu.dma_semaphore, #tpu.memory_space<semaphore_mem>>)
      %dma_wait3A_51 = arith.constant 0 : i32
      %dma_wait3A_52 = tpu.memref_slice %arg5[%add3A_28, %dma_wait3A_51] : memref<40x128xi32, #tpu.memory_space<vmem>> -> memref<1x128xi32, #tpu.memory_space<vmem>>
      %dma_wait3A_53 = tpu.memref_squeeze %dma_wait3A_52 : memref<1x128xi32, #tpu.memory_space<vmem>> -> memref<128xi32, #tpu.memory_space<vmem>>
      %dma_wait3A_54 = arith.constant 0 : i32
      %dma_wait3A_55 = arith.constant 0 : i32
      %dma_wait3A_56 = tpu.memref_slice %arg8[%dma_wait3A_54, %dma_wait3A_55] : memref<10240x128xf32, #tpu.memory_space<vmem_shared>> -> memref<10240x128xf32, #tpu.memory_space<vmem_shared>>
      tpu.wait_indirect_dma semaphore(%arg10 : memref<!tpu.dma_semaphore, #tpu.memory_space<semaphore_mem>>) src(%dma_wait3A_56 : memref<10240x128xf32, #tpu.memory_space<vmem_shared>>) dst(%arg7 : memref<128x128xf32, #tpu.memory_space<vmem>>)
      %dma_wait3A_57 = arith.constant 0 : i32
      %dma_wait3A_58 = arith.constant 0 : i32
      %dma_wait3A_59 = tpu.memref_slice %arg4[%add3A, %mul3A_26, %dma_wait3A_57, %dma_wait3A_58] : memref<32x40x128x128xf32, #tpu.memory_space<hbm>> -> memref<1x1x128x128xf32, #tpu.memory_space<hbm>>
      %dma_wait3A_60 = tpu.memref_squeeze %dma_wait3A_59 : memref<1x1x128x128xf32, #tpu.memory_space<hbm>> -> memref<128x128xf32, #tpu.memory_space<hbm>>
      %dma_wait3A_61 = arith.constant 0 : i32
      %dma_wait3A_62 = arith.constant 0 : i32
      %dma_wait3A_63 = tpu.memref_slice %arg4[%add3A, %mul3A_26, %dma_wait3A_61, %dma_wait3A_62] : memref<32x40x128x128xf32, #tpu.memory_space<hbm>> -> memref<1x1x128x128xf32, #tpu.memory_space<hbm>>
      %dma_wait3A_64 = tpu.memref_squeeze %dma_wait3A_63 : memref<1x1x128x128xf32, #tpu.memory_space<hbm>> -> memref<128x128xf32, #tpu.memory_space<hbm>>
      tpu.wait_dma2 semaphore(%arg11 : memref<!tpu.dma_semaphore, #tpu.memory_space<semaphore_mem>>) src(%arg6 : memref<128x128xf32, #tpu.memory_space<vmem>>) dst(%dma_wait3A_64 : memref<128x128xf32, #tpu.memory_space<hbm>>)
      %lt3A = arith.constant 19 : i32
      %lt3A_65 = arith.cmpi slt, %scan3A_24, %lt3A : i32
      %convert_element_type3A_66 = arith.extui %lt3A_65 : i1 to i32
      %cond3A_67 = arith.constant 0 : i32
      %cond3A_68 = arith.cmpi ne, %convert_element_type3A_66, %cond3A_67 : i32
      scf.if %cond3A_68 {
        %add3A_77 = arith.constant 2 : i32
        %add3A_78 = arith.addi %mul3A_26, %add3A_77 : i32
        %dma_start3A_79 = arith.constant 0 : i32
        %dma_start3A_80 = tpu.memref_slice %arg5[%add3A_78, %dma_start3A_79] : memref<40x128xi32, #tpu.memory_space<vmem>> -> memref<1x128xi32, #tpu.memory_space<vmem>>
        %dma_start3A_81 = tpu.memref_squeeze %dma_start3A_80 : memref<1x128xi32, #tpu.memory_space<vmem>> -> memref<128xi32, #tpu.memory_space<vmem>>
        %dma_start3A_82 = arith.constant 0 : i32
        %dma_start3A_83 = arith.constant 0 : i32
        %dma_start3A_84 = tpu.memref_slice %arg8[%dma_start3A_82, %dma_start3A_83] : memref<10240x128xf32, #tpu.memory_space<vmem_shared>> -> memref<10240x128xf32, #tpu.memory_space<vmem_shared>>
        tpu.enqueue_indirect_dma source(%dma_start3A_84 : memref<10240x128xf32, #tpu.memory_space<vmem_shared>>) target(%arg6 : memref<128x128xf32, #tpu.memory_space<vmem>>) offsets(%dma_start3A_81 : memref<128xi32, #tpu.memory_space<vmem>>) semaphore(%arg9 : memref<!tpu.dma_semaphore, #tpu.memory_space<semaphore_mem>>)
      } else {
      }
      %dma_start3A_69 = arith.constant 0 : i32
      %dma_start3A_70 = arith.constant 0 : i32
      %dma_start3A_71 = tpu.memref_slice %arg4[%add3A, %add3A_28, %dma_start3A_69, %dma_start3A_70] : memref<32x40x128x128xf32, #tpu.memory_space<hbm>> -> memref<1x1x128x128xf32, #tpu.memory_space<hbm>>
      %dma_start3A_72 = tpu.memref_squeeze %dma_start3A_71 : memref<1x1x128x128xf32, #tpu.memory_space<hbm>> -> memref<128x128xf32, #tpu.memory_space<hbm>>
      %dma_start3A_73 = arith.constant 0 : i32
      %dma_start3A_74 = arith.constant 0 : i32
      %dma_start3A_75 = tpu.memref_slice %arg4[%add3A, %add3A_28, %dma_start3A_73, %dma_start3A_74] : memref<32x40x128x128xf32, #tpu.memory_space<hbm>> -> memref<1x1x128x128xf32, #tpu.memory_space<hbm>>
      %dma_start3A_76 = tpu.memref_squeeze %dma_start3A_75 : memref<1x1x128x128xf32, #tpu.memory_space<hbm>> -> memref<128x128xf32, #tpu.memory_space<hbm>>
      tpu.enqueue_dma source(%arg7 : memref<128x128xf32, #tpu.memory_space<vmem>>) target(%dma_start3A_76 : memref<128x128xf32, #tpu.memory_space<hbm>>) target_semaphore(%arg12 : memref<!tpu.dma_semaphore, #tpu.memory_space<semaphore_mem>>)
    }
    %scan3A_15 = arith.constant 20 : i32
    %dma_wait3A = arith.constant 39 : i32
    %dma_wait3A_16 = arith.constant 0 : i32
    %dma_wait3A_17 = arith.constant 0 : i32
    %dma_wait3A_18 = tpu.memref_slice %arg4[%add3A, %dma_wait3A, %dma_wait3A_16, %dma_wait3A_17] : memref<32x40x128x128xf32, #tpu.memory_space<hbm>> -> memref<1x1x128x128xf32, #tpu.memory_space<hbm>>
    %dma_wait3A_19 = tpu.memref_squeeze %dma_wait3A_18 : memref<1x1x128x128xf32, #tpu.memory_space<hbm>> -> memref<128x128xf32, #tpu.memory_space<hbm>>
    %dma_wait3A_20 = arith.constant 0 : i32
    %dma_wait3A_21 = arith.constant 0 : i32
    %dma_wait3A_22 = tpu.memref_slice %arg4[%add3A, %dma_wait3A, %dma_wait3A_20, %dma_wait3A_21] : memref<32x40x128x128xf32, #tpu.memory_space<hbm>> -> memref<1x1x128x128xf32, #tpu.memory_space<hbm>>
    %dma_wait3A_23 = tpu.memref_squeeze %dma_wait3A_22 : memref<1x1x128x128xf32, #tpu.memory_space<hbm>> -> memref<128x128xf32, #tpu.memory_space<hbm>>
    tpu.wait_dma2 semaphore(%arg12 : memref<!tpu.dma_semaphore, #tpu.memory_space<semaphore_mem>>) src(%arg7 : memref<128x128xf32, #tpu.memory_space<vmem>>) dst(%dma_wait3A_23 : memref<128x128xf32, #tpu.memory_space<hbm>>)
    return
  }
}

module attributes {stable_mosaic.version = 14 : i64} {
  func.func @_msg_body(%arg0: i32, %arg1: memref<4096x16xf32, #tpu.memory_space<vmem>>, %arg2: memref<4096x128xf32, #tpu.memory_space<vmem>>, %arg3: memref<16x128xf32, #tpu.memory_space<vmem>>, %arg4: memref<1x128xf32, #tpu.memory_space<vmem>>, %arg5: memref<128x128xf32, #tpu.memory_space<vmem>>, %arg6: memref<1x128xf32, #tpu.memory_space<vmem>>, %arg7: memref<4096x128xf32, #tpu.memory_space<vmem>>) attributes {dimension_semantics = [#tpu.dimension_semantics<arbitrary>], iteration_bounds = array<i64: 40>, scalar_prefetch = 0 : i64, scratch_operands = 0 : i64, tpu.core_type = #tpu.core_type<tc>, window_params = [{transform_indices = @transform_0, window_bounds = array<i64: 4096, 16>}, {transform_indices = @transform_1, window_bounds = array<i64: 4096, 128>}, {pipeline_mode = #tpu.pipeline_mode<synchronous>, transform_indices = @transform_2, window_bounds = array<i64: 16, 128>}, {pipeline_mode = #tpu.pipeline_mode<synchronous>, transform_indices = @transform_3, window_bounds = array<i64: 1, 128>}, {pipeline_mode = #tpu.pipeline_mode<synchronous>, transform_indices = @transform_4, window_bounds = array<i64: 128, 128>}, {pipeline_mode = #tpu.pipeline_mode<synchronous>, transform_indices = @transform_5, window_bounds = array<i64: 1, 128>}, {transform_indices = @transform_6, window_bounds = array<i64: 4096, 128>}]} {
    %get3A = arith.constant 0 : index
    %get3A_0 = arith.constant 0 : index
    %get3A_1 = vector.load %arg1[%get3A, %get3A_0] : memref<4096x16xf32, #tpu.memory_space<vmem>>, vector<4096x16xf32>
    %get3A_2 = arith.constant 0 : index
    %get3A_3 = arith.constant 0 : index
    %get3A_4 = vector.load %arg3[%get3A_2, %get3A_3] : memref<16x128xf32, #tpu.memory_space<vmem>>, vector<16x128xf32>
    %dot_general3A = arith.constant dense<0.000000e+00> : vector<4096x128xf32>
    %dot_general3A_5 = tpu.matmul %get3A_1, %get3A_4, %dot_general3A {dimension_numbers = #tpu.dot_dimension_numbers<[1], [0], [0], [1], [0, 0, 1, 1], [], []>, transpose_lhs_hint = false} : vector<4096x16xf32>, vector<16x128xf32>, vector<4096x128xf32> -> vector<4096x128xf32>
    %get3A_6 = arith.constant 0 : index
    %get3A_7 = arith.constant 0 : index
    %get3A_8 = vector.load %arg4[%get3A_6, %get3A_7] : memref<1x128xf32, #tpu.memory_space<vmem>>, vector<1x128xf32>
    %add3A = vector.broadcast %get3A_8 : vector<1x128xf32> to vector<4096x128xf32>
    %add3A_9 = arith.addf %dot_general3A_5, %add3A : vector<4096x128xf32>
    %logistic3A = arith.negf %add3A_9 : vector<4096x128xf32>
    %logistic3A_10 = math.exp %logistic3A : vector<4096x128xf32>
    %logistic3A_11 = arith.constant 1.000000e+00 : f32
    %logistic3A_12 = vector.broadcast %logistic3A_11 : f32 to vector<4096x128xf32>
    %logistic3A_13 = arith.addf %logistic3A_12, %logistic3A_10 : vector<4096x128xf32>
    %logistic3A_14 = arith.divf %logistic3A_12, %logistic3A_13 : vector<4096x128xf32>
    %mul3A = arith.mulf %add3A_9, %logistic3A_14 : vector<4096x128xf32>
    %get3A_15 = arith.constant 0 : index
    %get3A_16 = arith.constant 0 : index
    %get3A_17 = vector.load %arg2[%get3A_15, %get3A_16] : memref<4096x128xf32, #tpu.memory_space<vmem>>, vector<4096x128xf32>
    %add3A_18 = arith.addf %get3A_17, %mul3A : vector<4096x128xf32>
    %max3A = arith.constant 0.000000e+00 : f32
    %max3A_19 = vector.broadcast %max3A : f32 to vector<4096x128xf32>
    %max3A_20 = arith.maximumf %add3A_18, %max3A_19 : vector<4096x128xf32>
    %get3A_21 = arith.constant 0 : index
    %get3A_22 = arith.constant 0 : index
    %get3A_23 = vector.load %arg5[%get3A_21, %get3A_22] : memref<128x128xf32, #tpu.memory_space<vmem>>, vector<128x128xf32>
    %dot_general3A_24 = arith.constant dense<0.000000e+00> : vector<4096x128xf32>
    %dot_general3A_25 = tpu.matmul %max3A_20, %get3A_23, %dot_general3A_24 {dimension_numbers = #tpu.dot_dimension_numbers<[1], [0], [0], [1], [0, 0, 1, 1], [], []>, transpose_lhs_hint = false} : vector<4096x128xf32>, vector<128x128xf32>, vector<4096x128xf32> -> vector<4096x128xf32>
    %get3A_26 = arith.constant 0 : index
    %get3A_27 = arith.constant 0 : index
    %get3A_28 = vector.load %arg6[%get3A_26, %get3A_27] : memref<1x128xf32, #tpu.memory_space<vmem>>, vector<1x128xf32>
    %add3A_29 = vector.broadcast %get3A_28 : vector<1x128xf32> to vector<4096x128xf32>
    %add3A_30 = arith.addf %dot_general3A_25, %add3A_29 : vector<4096x128xf32>
    %logistic3A_31 = arith.negf %add3A_30 : vector<4096x128xf32>
    %logistic3A_32 = math.exp %logistic3A_31 : vector<4096x128xf32>
    %logistic3A_33 = arith.constant 1.000000e+00 : f32
    %logistic3A_34 = vector.broadcast %logistic3A_33 : f32 to vector<4096x128xf32>
    %logistic3A_35 = arith.addf %logistic3A_34, %logistic3A_32 : vector<4096x128xf32>
    %logistic3A_36 = arith.divf %logistic3A_34, %logistic3A_35 : vector<4096x128xf32>
    %mul3A_37 = arith.mulf %add3A_30, %logistic3A_36 : vector<4096x128xf32>
    %swap3A = arith.constant 0 : index
    %swap3A_38 = arith.constant 0 : index
    %swap3A_39 = vector.load %arg7[%swap3A, %swap3A_38] : memref<4096x128xf32, #tpu.memory_space<vmem>>, vector<4096x128xf32>
    tpu.vector_store %arg7[%swap3A, %swap3A_38], %mul3A_37 {strides = array<i32>} : memref<4096x128xf32, #tpu.memory_space<vmem>>, vector<4096x128xf32>,
    return
  }
  func.func @transform_0(%arg0: i32) -> (i32, i32) {
    %c0_i32 = arith.constant 0 : i32
    %c0_i32_0 = arith.constant 0 : i32
    return %arg0, %c0_i32 : i32, i32
  }
  func.func @transform_1(%arg0: i32) -> (i32, i32) {
    %c0_i32 = arith.constant 0 : i32
    %c0_i32_0 = arith.constant 0 : i32
    return %arg0, %c0_i32 : i32, i32
  }
  func.func @transform_2(%arg0: i32) -> (i32, i32) {
    %c0_i32 = arith.constant 0 : i32
    %c0_i32_0 = arith.constant 0 : i32
    %c0_i32_1 = arith.constant 0 : i32
    return %c0_i32, %c0_i32_0 : i32, i32
  }
  func.func @transform_3(%arg0: i32) -> (i32, i32) {
    %c0_i32 = arith.constant 0 : i32
    %c0_i32_0 = arith.constant 0 : i32
    %c0_i32_1 = arith.constant 0 : i32
    return %c0_i32, %c0_i32_0 : i32, i32
  }
  func.func @transform_4(%arg0: i32) -> (i32, i32) {
    %c0_i32 = arith.constant 0 : i32
    %c0_i32_0 = arith.constant 0 : i32
    %c0_i32_1 = arith.constant 0 : i32
    return %c0_i32, %c0_i32_0 : i32, i32
  }
  func.func @transform_5(%arg0: i32) -> (i32, i32) {
    %c0_i32 = arith.constant 0 : i32
    %c0_i32_0 = arith.constant 0 : i32
    %c0_i32_1 = arith.constant 0 : i32
    return %c0_i32, %c0_i32_0 : i32, i32
  }
  func.func @transform_6(%arg0: i32) -> (i32, i32) {
    %c0_i32 = arith.constant 0 : i32
    %c0_i32_0 = arith.constant 0 : i32
    return %arg0, %c0_i32 : i32, i32
  }
}

module attributes {stable_mosaic.version = 14 : i64} {
  func.func @_final_body(%arg0: memref<10000x128xf32, #tpu.memory_space<vmem>>, %arg1: memref<10000x128xf32, #tpu.memory_space<vmem>>, %arg2: memref<10000x128xf32, #tpu.memory_space<vmem>>, %arg3: memref<10000x128xf32, #tpu.memory_space<vmem>>, %arg4: memref<10000x128xf32, #tpu.memory_space<vmem>>, %arg5: memref<10000x1xi32, #tpu.memory_space<vmem>>, %arg6: memref<1x10000xi32, #tpu.memory_space<vmem>>, %arg7: memref<1x1xf32, #tpu.memory_space<vmem>>, %arg8: memref<1x128xf32, #tpu.memory_space<vmem>>, %arg9: memref<1x128xf32, #tpu.memory_space<vmem>>, %arg10: memref<10000x128xf32, #tpu.memory_space<vmem>>) attributes {dimension_semantics = [], scalar_prefetch = 0 : i64, scratch_operands = 0 : i64, tpu.core_type = #tpu.core_type<tc>} {
    %get3A = arith.constant 0 : index
    %get3A_0 = arith.constant 0 : index
    %get3A_1 = vector.load %arg4[%get3A, %get3A_0] : memref<10000x128xf32, #tpu.memory_space<vmem>>, vector<10000x128xf32>
    %get3A_2 = arith.constant 0 : index
    %get3A_3 = arith.constant 0 : index
    %get3A_4 = vector.load %arg0[%get3A_2, %get3A_3] : memref<10000x128xf32, #tpu.memory_space<vmem>>, vector<10000x128xf32>
    %get3A_5 = arith.constant 0 : index
    %get3A_6 = arith.constant 0 : index
    %get3A_7 = vector.load %arg1[%get3A_5, %get3A_6] : memref<10000x128xf32, #tpu.memory_space<vmem>>, vector<10000x128xf32>
    %add3A = arith.addf %get3A_4, %get3A_7 : vector<10000x128xf32>
    %get3A_8 = arith.constant 0 : index
    %get3A_9 = arith.constant 0 : index
    %get3A_10 = vector.load %arg2[%get3A_8, %get3A_9] : memref<10000x128xf32, #tpu.memory_space<vmem>>, vector<10000x128xf32>
    %add3A_11 = arith.addf %add3A, %get3A_10 : vector<10000x128xf32>
    %get3A_12 = arith.constant 0 : index
    %get3A_13 = arith.constant 0 : index
    %get3A_14 = vector.load %arg3[%get3A_12, %get3A_13] : memref<10000x128xf32, #tpu.memory_space<vmem>>, vector<10000x128xf32>
    %add3A_15 = arith.addf %add3A_11, %get3A_14 : vector<10000x128xf32>
    %get3A_16 = arith.constant 0 : index
    %get3A_17 = arith.constant 0 : index
    %get3A_18 = vector.load %arg7[%get3A_16, %get3A_17] : memref<1x1xf32, #tpu.memory_space<vmem>>, vector<1x1xf32>
    %get3A_19 = vector.extract %get3A_18[0, 0] : f32 from vector<1x1xf32>
    %add3A_20 = arith.constant 1.000000e+00 : f32
    %add3A_21 = arith.addf %add3A_20, %get3A_19 : f32
    %mul3A = vector.broadcast %add3A_21 : f32 to vector<10000x128xf32>
    %mul3A_22 = arith.mulf %mul3A, %get3A_1 : vector<10000x128xf32>
    %add3A_23 = arith.addf %add3A_15, %mul3A_22 : vector<10000x128xf32>
    %iota3A = tpu.iota {dimensions = array<i32: 1>} : vector<10000x128xi32>
    %get3A_24 = arith.constant 0 : index
    %get3A_25 = arith.constant 0 : index
    %get3A_26 = vector.load %arg5[%get3A_24, %get3A_25] : memref<10000x1xi32, #tpu.memory_space<vmem>>, vector<10000x1xi32>
    %eq3A = vector.broadcast %get3A_26 : vector<10000x1xi32> to vector<10000x128xi32>
    %eq3A_27 = arith.cmpi eq, %iota3A, %eq3A : vector<10000x128xi32>
    %convert_element_type3A = arith.extui %eq3A_27 : vector<10000x128xi1> to vector<10000x128xi32>
    %convert_element_type3A_28 = arith.sitofp %convert_element_type3A : vector<10000x128xi32> to vector<10000x128xf32>
    %iota3A_29 = tpu.iota {dimensions = array<i32: 0>} : vector<128x10000xi32>
    %get3A_30 = arith.constant 0 : index
    %get3A_31 = arith.constant 0 : index
    %get3A_32 = vector.load %arg6[%get3A_30, %get3A_31] : memref<1x10000xi32, #tpu.memory_space<vmem>>, vector<1x10000xi32>
    %eq3A_33 = vector.broadcast %get3A_32 : vector<1x10000xi32> to vector<128x10000xi32>
    %eq3A_34 = arith.cmpi eq, %iota3A_29, %eq3A_33 : vector<128x10000xi32>
    %convert_element_type3A_35 = arith.extui %eq3A_34 : vector<128x10000xi1> to vector<128x10000xi32>
    %convert_element_type3A_36 = arith.sitofp %convert_element_type3A_35 : vector<128x10000xi32> to vector<128x10000xf32>
    %reduce_sum3A = arith.constant dense<0.000000e+00> : vector<128xf32>
    %reduce_sum3A_37 = vector.multi_reduction <add>, %convert_element_type3A_36, %reduce_sum3A [1] : vector<128x10000xf32> to vector<128xf32>
    %broadcast_in_dim3A = vector.shape_cast %reduce_sum3A_37 : vector<128xf32> to vector<128x1xf32>
    %max3A = arith.constant 1.000000e+00 : f32
    %max3A_38 = vector.broadcast %max3A : f32 to vector<128x1xf32>
    %max3A_39 = arith.maximumf %broadcast_in_dim3A, %max3A_38 : vector<128x1xf32>
    %mul3A_40 = arith.constant 1.280000e+02 : f32
    %mul3A_41 = vector.broadcast %mul3A_40 : f32 to vector<128x1xf32>
    %mul3A_42 = arith.mulf %max3A_39, %mul3A_41 : vector<128x1xf32>
    %dot_general3A = arith.constant dense<0.000000e+00> : vector<128x128xf32>
    %dot_general3A_43 = tpu.matmul %convert_element_type3A_36, %add3A_23, %dot_general3A {dimension_numbers = #tpu.dot_dimension_numbers<[1], [0], [0], [1], [0, 0, 1, 1], [], []>, transpose_lhs_hint = false} : vector<128x10000xf32>, vector<10000x128xf32>, vector<128x128xf32> -> vector<128x128xf32>
    %reduce_sum3A_44 = arith.constant dense<0.000000e+00> : vector<128xf32>
    %reduce_sum3A_45 = vector.multi_reduction <add>, %dot_general3A_43, %reduce_sum3A_44 [1] : vector<128x128xf32> to vector<128xf32>
    %broadcast_in_dim3A_46 = vector.shape_cast %reduce_sum3A_45 : vector<128xf32> to vector<128x1xf32>
    %div3A = arith.divf %broadcast_in_dim3A_46, %mul3A_42 : vector<128x1xf32>
    %dot_general3A_47 = arith.constant dense<0.000000e+00> : vector<10000x1xf32>
    %dot_general3A_48 = tpu.matmul %convert_element_type3A_28, %div3A, %dot_general3A_47 {dimension_numbers = #tpu.dot_dimension_numbers<[1], [0], [0], [1], [0, 0, 1, 1], [], []>, transpose_lhs_hint = false} : vector<10000x128xf32>, vector<128x1xf32>, vector<10000x1xf32> -> vector<10000x1xf32>
    %sub3A = vector.broadcast %dot_general3A_48 : vector<10000x1xf32> to vector<10000x128xf32>
    %sub3A_49 = arith.subf %add3A_23, %sub3A : vector<10000x128xf32>
    %mul3A_50 = arith.mulf %sub3A_49, %sub3A_49 : vector<10000x128xf32>
    %dot_general3A_51 = arith.constant dense<0.000000e+00> : vector<128x128xf32>
    %dot_general3A_52 = tpu.matmul %convert_element_type3A_36, %mul3A_50, %dot_general3A_51 {dimension_numbers = #tpu.dot_dimension_numbers<[1], [0], [0], [1], [0, 0, 1, 1], [], []>, transpose_lhs_hint = false} : vector<128x10000xf32>, vector<10000x128xf32>, vector<128x128xf32> -> vector<128x128xf32>
    %reduce_sum3A_53 = arith.constant dense<0.000000e+00> : vector<128xf32>
    %reduce_sum3A_54 = vector.multi_reduction <add>, %dot_general3A_52, %reduce_sum3A_53 [1] : vector<128x128xf32> to vector<128xf32>
    %broadcast_in_dim3A_55 = vector.shape_cast %reduce_sum3A_54 : vector<128xf32> to vector<128x1xf32>
    %div3A_56 = arith.divf %broadcast_in_dim3A_55, %mul3A_42 : vector<128x1xf32>
    %add3A_57 = arith.constant 9.99999974E-6 : f32
    %add3A_58 = vector.broadcast %add3A_57 : f32 to vector<128x1xf32>
    %add3A_59 = arith.addf %div3A_56, %add3A_58 : vector<128x1xf32>
    %rsqrt3A = math.rsqrt %add3A_59 : vector<128x1xf32>
    %dot_general3A_60 = arith.constant dense<0.000000e+00> : vector<10000x1xf32>
    %dot_general3A_61 = tpu.matmul %convert_element_type3A_28, %rsqrt3A, %dot_general3A_60 {dimension_numbers = #tpu.dot_dimension_numbers<[1], [0], [0], [1], [0, 0, 1, 1], [], []>, transpose_lhs_hint = false} : vector<10000x128xf32>, vector<128x1xf32>, vector<10000x1xf32> -> vector<10000x1xf32>
    %mul3A_62 = vector.broadcast %dot_general3A_61 : vector<10000x1xf32> to vector<10000x128xf32>
    %mul3A_63 = arith.mulf %sub3A_49, %mul3A_62 : vector<10000x128xf32>
    %get3A_64 = arith.constant 0 : index
    %get3A_65 = arith.constant 0 : index
    %get3A_66 = vector.load %arg8[%get3A_64, %get3A_65] : memref<1x128xf32, #tpu.memory_space<vmem>>, vector<1x128xf32>
    %mul3A_67 = vector.broadcast %get3A_66 : vector<1x128xf32> to vector<10000x128xf32>
    %mul3A_68 = arith.mulf %mul3A_63, %mul3A_67 : vector<10000x128xf32>
    %get3A_69 = arith.constant 0 : index
    %get3A_70 = arith.constant 0 : index
    %get3A_71 = vector.load %arg9[%get3A_69, %get3A_70] : memref<1x128xf32, #tpu.memory_space<vmem>>, vector<1x128xf32>
    %add3A_72 = vector.broadcast %get3A_71 : vector<1x128xf32> to vector<10000x128xf32>
    %add3A_73 = arith.addf %mul3A_68, %add3A_72 : vector<10000x128xf32>
    %add3A_74 = arith.addf %add3A_73, %get3A_1 : vector<10000x128xf32>
    %max3A_75 = arith.constant 0.000000e+00 : f32
    %max3A_76 = vector.broadcast %max3A_75 : f32 to vector<10000x128xf32>
    %max3A_77 = arith.maximumf %add3A_74, %max3A_76 : vector<10000x128xf32>
    %swap3A = arith.constant 0 : index
    %swap3A_78 = arith.constant 0 : index
    %swap3A_79 = vector.load %arg10[%swap3A, %swap3A_78] : memref<10000x128xf32, #tpu.memory_space<vmem>>, vector<10000x128xf32>
    tpu.vector_store %arg10[%swap3A, %swap3A_78], %max3A_77 {strides = array<i32>} : memref<10000x128xf32, #tpu.memory_space<vmem>>, vector<10000x128xf32>,
    return
  }
}

</mosaic_0001>

<sc_bundles>
// kernel: kernel.12.cloned.1.call-start
scs
__scs_entry_jumppad:
0x0: {  	(pc) =	sbr.rel $0x88, $3  }
0x1: {  	(tag) =	ssettag $0x0;
	lr =	simm.s32 $0x1  }
0x2: {  	[smem:$0x3F96] =	sst lr;
	_ =	strace $0xD0000000  }
0x3: {  	_ = 	snop  }
0x4: {  	_ = 	snop  }
0x5: {  	_ = 	snop  }
0x6: {  	_ = 	snop  }
0x7: {  	_ = 	snop  }
__scs_overlays_trampoline_lowered:
0x8: {  	[smem:$0x3FA5] =	sst s0  }
0x9: {  	[smem:$0x3FA6] =	sst s1  }
0xa: {  	[smem:$0x3FA7] =	sst s2  }
0xb: {  	[smem:$0x3FA8] =	sst s3  }
0xc: {  	[smem:$0x3FA9] =	sst s4  }
0xd: {  	[smem:$0x3FAA] =	sst s5  }
0xe: {  	[smem:$0x3FAB] =	sst s6  }
0xf: {  	[smem:$0x3FAC] =	sst s7  }
0x10: {  	[smem:$0x3FAD] =	sst s8  }
0x11: {  	[smem:$0x3FAE] =	sst s9;
	s0 =	simm.s32 @!p0 $0x0  }
0x12: {  	s1 =	sld [smem:$0x3F94];
	s0 =	simm.s32 @p0 $0x1  }
0x13: {  	[smem:$0x3FAF] =	sst s0;
	s0 =	simm.s32 @!p1 $0x0  }
0x14: {  	s2 =	sld [smem:$0x3F93];
	s0 =	simm.s32 @p1 $0x1  }
0x15: {  	[smem:$0x3FB0] =	sst s0;
	s0 =	simm.s32 @!p2 $0x0  }
0x16: {  	s3 =	sld [smem:$0x3FDB];
	s0 =	simm.s32 @p2 $0x1  }
0x17: {  	s4 =	simm.s32 $0x1BF5;
	[smem:$0x3FB2] =	sst s0  }
0x18: {  	s0 =	sld [smem:$0x3F95];
	_ =	swait.ge [sflag:s4], $0x0  }
0x19: {  	s7 =	sld [smem:$0x3F96]  }
0x1a: {  	s8 =	sadd.s32 $0xFFFFE003, lr  }
0x1b: {  	s9 =	sadd.s32 $0xFFFFFEF7, lr;
	s5 =	simm.s32 $0xFFFFFFFF;
	p2 =	slt.u32 s8, $0xFFFFF086  }
0x1c: {  	p1 =	slt.u32 s9, $0xF7A;
	s5 =	simm.s32 @!p2 $0x0  }
0x1d: {  	s5 =	simm.s32 @p1 $0x1;
	p0 =	seq.s32 s7, s2  }
0x1e: {  	s7 =	smul.u32 @!p0 $0xF7A, s2;
	p2 =	seq.s32 @!p0 s5, $0x0  }
0x1f: {  	s9 =	smul.u32 $0xF7A, s1;
	s8 =	simm.s32 @!p0 $0x1BF5;
	p2 =	por !p2, p0  }
0x20: {  	[sflag:s8] =	ssyncset.s32 @!p0 $0xFFFFF086;
	s6 =	sadd.s32 @!p0 s3, s7;
	s7 =	simm.s32 @!p0 $0x108  }
0x21: {  	s3 =	sadd.s32 s3, s9;
	s6 =	sadd.s32 @!p0 $0x88, s6;
	s7 =	simm.s32 @p2 $0x1082  }
0x22: {  	[simem:s7], [sflag:s8] =	dma.local @!p0 [hbm:s6], $0xF7A  }
0x23: {  	s9 =	sor.u32 $0xD0000000, s2;
	s6 =	simm.s32 $0x108;
	_ =	swait.ge @!p0 [sflag:s8], $0x0  }
0x24: {  	s3 =	sadd.s32 $0x88, s3;
	s6 =	simm.s32 @!p1 $0x1082;
	[sflag:s4] =	ssyncset.s32 $0xFFFFF086  }
0x25: {  	[simem:s6], [sflag:s4] =	dma.local [hbm:s3], $0xF7A  }
0x26: {  	[smem:$0x3F96] =	sst s1;
	(tag) =	ssettag s2;
	_ =	strace s9  }
0x27: {  	s1 =	sld [smem:$0x3FA6]  }
0x28: {  	s2 =	sld [smem:$0x3FA7]  }
0x29: {  	s4 =	sld [smem:$0x3FA9]  }
0x2a: {  	p0 =	seq.s32 s5, $0x0;
	s5 =	sld [smem:$0x3FAA]  }
0x2b: {  	s6 =	sld [smem:$0x3FAB]  }
0x2c: {  	s7 =	sld [smem:$0x3FAC]  }
0x2d: {  	s3 =	simm.s32 $0x108;
	s8 =	sld [smem:$0x3FAD]  }
0x2e: {  	s3 =	simm.s32 @!p0 $0x1082;
	s9 =	sld [smem:$0x3FAE]  }
0x2f: {  	lr =	sadd.s32 s0, s3;
	s0 =	sld [smem:$0x3FA5]  }
0x30: {  	s3 =	sld [smem:$0x3FA8]  }
0x31: {  	[smem:$0x3FB1] =	sst s10  }
0x32: {  	s10 =	sld [smem:$0x3FAF];
	_ =	sdelay $0x3  }
0x33: {  	p0 =	seq.s32 s10, $0x1;
	s10 =	sld [smem:$0x3FB1];
	_ =	sdelay $0x3  }
0x34: {  	[smem:$0x3FB1] =	sst s10  }
0x35: {  	s10 =	sld [smem:$0x3FB0];
	_ =	sdelay $0x3  }
0x36: {  	p1 =	seq.s32 s10, $0x1;
	s10 =	sld [smem:$0x3FB1];
	_ =	sdelay $0x3  }
0x37: {  	[smem:$0x3FB1] =	sst s10  }
0x38: {  	s10 =	sld [smem:$0x3FB2]  }
0x39: {  	_ = 	snop;
	(pc) =	sbr.ind lr, $3  }
0x3a: {  	_ = 	snop  }
0x3b: {  	_ = 	snop  }
0x3c: {  	p2 =	seq.s32 s10, $0x1;
	s10 =	sld [smem:$0x3FB1]  }
0x3d: {  	_ =	shalt  }
0x3e: {  	_ =	shalt  }
0x3f: {  	_ =	shalt  }
0x40: {  	_ =	shalt  }
0x41: {  	_ =	shalt  }
0x42: {  	_ =	shalt  }
0x43: {  	_ =	shalt  }
0x44: {  	_ =	shalt  }
0x45: {  	_ =	shalt  }
0x46: {  	_ =	shalt  }
0x47: {  	_ =	shalt  }
0x48: {  	_ =	shalt  }
0x49: {  	_ =	shalt  }
0x4a: {  	_ =	shalt  }
0x4b: {  	_ =	shalt  }
0x4c: {  	_ =	shalt  }
0x4d: {  	_ =	shalt  }
0x4e: {  	_ =	shalt  }
0x4f: {  	_ =	shalt  }
0x50: {  	_ =	shalt  }
0x51: {  	_ =	shalt  }
0x52: {  	_ =	shalt  }
0x53: {  	_ =	shalt  }
0x54: {  	_ =	shalt  }
0x55: {  	_ =	shalt  }
0x56: {  	_ =	shalt  }
0x57: {  	_ =	shalt  }
0x58: {  	_ =	shalt  }
0x59: {  	_ =	shalt  }
0x5a: {  	_ =	shalt  }
0x5b: {  	_ =	shalt  }
0x5c: {  	_ =	shalt  }
0x5d: {  	_ =	shalt  }
0x5e: {  	_ =	shalt  }
0x5f: {  	_ =	shalt  }
0x60: {  	_ =	shalt  }
0x61: {  	_ =	shalt  }
0x62: {  	_ =	shalt  }
0x63: {  	_ =	shalt  }
0x64: {  	_ =	shalt  }
0x65: {  	_ =	shalt  }
0x66: {  	_ =	shalt  }
0x67: {  	_ =	shalt  }
0x68: {  	_ =	shalt  }
0x69: {  	_ =	shalt  }
0x6a: {  	_ =	shalt  }
0x6b: {  	_ =	shalt  }
0x6c: {  	_ =	shalt  }
0x6d: {  	_ =	shalt  }
0x6e: {  	_ =	shalt  }
0x6f: {  	_ =	shalt  }
0x70: {  	_ =	shalt  }
0x71: {  	_ =	shalt  }
0x72: {  	_ =	shalt  }
0x73: {  	_ =	shalt  }
0x74: {  	_ =	shalt  }
0x75: {  	_ =	shalt  }
0x76: {  	_ =	shalt  }
0x77: {  	_ =	shalt  }
0x78: {  	_ =	shalt  }
0x79: {  	_ =	shalt  }
0x7a: {  	_ =	shalt  }
0x7b: {  	_ =	shalt  }
0x7c: {  	_ =	shalt  }
0x7d: {  	_ =	shalt  }
0x7e: {  	_ =	shalt  }
0x7f: {  	_ =	shalt  }
0x80: {  	_ =	shalt  }
0x81: {  	_ =	shalt  }
0x82: {  	_ =	shalt  }
0x83: {  	_ =	shalt  }
0x84: {  	_ =	shalt  }
0x85: {  	_ =	shalt  }
0x86: {  	_ =	shalt  }
0x87: {  	_ =	shalt  }
.Lfunc_end0:
.L_simem_size_0:
called_computation.1_lowered:
.L_overlay_start_0:
0x88: {  	s2 =	sld [smem:$0x3FD9]  }
0x89: {  	s3 =	sld [smem:$0x3FFE];
	_ =	sdelay $0x1  }
0x8a: {  	s1 =	srdreg.scid  }
0x8b: {  	s0 =	sand.u32 $0x1, s1  }
0x8c: {  	s17 =	sshll.u32 s0, $0xA;
	s2 =	sadd.s32 s3, s2  }
0x8d: {  	s2 =	sadd.s32 s2, s17  }
0x8e: {  	[smem:$0x3FBD] =	sst s2  }
0x8f: {  	_ = 	snop  }
0x90: {  	(tm) =	ssettm $0x1  }
0x91: {  	s18 =	sld [smem:$0x3FFB];
	_ =	sdelay $0x3  }
0x92: {  	_ =	strace s18  }
0x93: {  	s2 =	sld [smem:$0x3FFC];
	_ =	sdelay $0x3  }
0x94: {  	_ =	strace s2  }
0x95: {  	s2 =	sld [smem:$0x3FFD];
	_ =	sdelay $0x3  }
0x96: {  	_ =	strace s2  }
0x97: {  	_ =	strace $0x8FFFFFFF  }
0x98: {  	s19 =	sld [smem:$0x3FDB];
	_ =	sdelay $0x1  }
0x99: {  	s20 =	simm.s32 $_scs_section_size  }
0x9a: {  	s4 =	simm.s32 $_size__tile_overlayer_lowered;
	s5 =	simm.s32 $_tile_overlayer_lowered  }
0x9b: {  	s6 =	simm.s32 $0x1BFF;
	s21 =	sshll.u32 s5, $0x1;
	s3 =	sadd.s32 s20, s19  }
0x9c: {  	s22 =	simm.s32 $0x0;
	s4 =	sshll.u32 s4, $0x1;
	s5 =	sadd.s32 s21, s3  }
0x9d: {  	[timem:s22], [sflag:s6] =	dma.local [hbm:s5], s4  }
0x9e: {  	_ =	swait.ge [sflag:s6], s4  }
0x9f: {  	s4 =	ssub.s32 $0x0, s4;
	[sflag:s6] =	ssyncset.done $0x0  }
0xa0: {  	[sflag:s6] =	ssyncadd.s32 s4;
	_ =	sdelay $0x1  }
0xa1: {  	s23 =	simm.s32 $0x1B8B  }
0xa2: {  	_ =	swait.ge [sflag:s23], $0x1  }
0xa3: {  	[sflag:s23] =	ssyncset.done $0x0  }
0xa4: {  	[sflag:s23] =	ssyncadd.s32 $0xFFFFFFFF  }
0xa5: {  	s4 =	sld [smem:$0x0]  }
0xa6: {  	s5 =	sand.u32 $0xFFFFFFFE, s1  }
0xa7: {  	p0 =	sne.s32 s1, s5  }
0xa8: {  	s5 =	sshll.u32 @p0 s5, $0xE  }
0xa9: {  	s5 =	sadd.s32 @p0 $0x11B8D, s5;
	s6 =	sshll.u32 @p0 s4, $0x11  }
0xaa: {  	s5 =	sor.u32 @p0 s6, s5  }
0xab: {  	[sflag:s5] =	ssyncadd.remote.s32 @p0 $0x1;
	_ =	sdelay $0x1  }
0xac: {  	s5 =	simm.s32 @p0 $0x1B8D  }
0xad: {  	_ =	swait.eq @p0 [sflag:s5], $0x1  }
0xae: {  	[sflag:s5] =	ssyncadd.s32 @p0 $0xFFFFFFFF  }
0xaf: {  	s6 =	sshll.u32 @!p0 s1, $0xE  }
0xb0: {  	s6 =	sor.u32 @!p0 $0x4000, s6;
	s5 =	simm.s32 @!p0 $0x1B8D  }
0xb1: {  	s4 =	sshll.u32 @!p0 s4, $0x11;
	s6 =	sadd.s32 @!p0 $0x11B8D, s6;
	_ =	swait.eq @!p0 [sflag:s5], $0x1  }
0xb2: {  	s4 =	sor.u32 @!p0 s4, s6;
	[sflag:s5] =	ssyncadd.s32 @!p0 $0xFFFFFFFF  }
0xb3: {  	s25 =	simm.s32 $0x1B8E;
	s24 =	sld [smem:$0x3FFE];
	[sflag:s4] =	ssyncadd.remote.s32 @!p0 $0x1  }
0xb4: {  	s26 =	simm.s32 $execute0_lowered;
	[smem:$0x3FD2] =	sst s25  }
0xb5: {  	s5 =	sshll.u32 s26, $0x1;
	_ =	strace $0x8000004F;
	[dreg:$0x1] =	wrdreg $0xFFFFFFFF  }
0xb6: {  	s28 =	simm.s32 $_size_execute0_lowered;
	s3 =	sadd.s32 s3, s5;
	[dreg:$0x0] =	wrdreg $0x0  }
0xb7: {  	s5 =	sshll.u32 s28, $0x1;
	[dreg:$0x2] =	wrdreg s3  }
0xb8: {  	[dreg:$0x3] =	wrdreg s5  }
0xb9: {  	[dreg:$0x4] =	wrdreg $0xC0  }
0xba: {  	_ =	task [dreg:s22], $0x5FFFF  }
0xbb: {  	[dreg:$0x1] =	wrdreg $0xFFFFFFFF  }
0xbc: {  	[dreg:$0x0] =	wrdreg $0x60  }
0xbd: {  	[dreg:$0x2] =	wrdreg s24  }
0xbe: {  	[dreg:$0x3] =	wrdreg $0x94000  }
0xbf: {  	[dreg:$0x4] =	wrdreg $0x9  }
0xc0: {  	_ =	task.clear_ibuf [dreg:s22], $0x5FFFF;
	_ =	strace $0x9000004F  }
0xc1: {  	s29 =	simm.s32 $0x9;
	_ =	strace $0x80000051  }
0xc2: {  	_ =	swait.ge [sflag:s29], $0x1  }
0xc3: {  	[sflag:s29] =	ssyncadd.s32 $0xFFFFFFFF  }
0xc4: {  	_ =	strace $0x90000051  }
0xc5: {  	_ =	sfence  }
0xc6: {  	s30 =	sld [smem:$0x0];
	_ =	sdelay $0x2  }
0xc7: {  	s31 =	sshll.u32 s1, $0xD;
	s1 =	sshrl.u32 s1, $0x2  }
0xc8: {  	s4 =	sand.u32 $0x4000, s31;
	s1 =	sadd.s32 s1, s30  }
0xc9: {  	s0 =	sor.u32 s4, s0;
	s1 =	sshll.u32 s1, $0x11  }
0xca: {  	s0 =	sor.u32 s1, s0  }
0xcb: {  	s0 =	sadd.s32 $0x8F2B, s0  }
0xcc: {  	[sflag:s0] =	ssyncadd.remote.s32 $0x1  }
0xcd: {  	_ =	sfence.sel $0xFFFF  }
0xce: {  	[dreg:$0x0] =	wrdreg $0xFFFFFFFF;
	(pc) =	sbr.abs _section_cstart, $3  }
0xcf: {  	[dreg:$0x1] =	wrdreg $0xFFFFFFFF  }
0xd0: {  	_ =	task.clear_ibuf [dreg:s22], $0x2FFFF;
	_ =	strace $0x9FFFFFFF  }
0xd1: {  	(tm) =	ssettm $0x7FFFFFFF  }
tec
execute0_lowered:
.L_overlay_start_1:
0x0: {  	(tag) =	ssettag $0x1  }
0x1: {  	s1 =	srdreg.scid;
	s4 =	rddreg [dreg:$0x0]  }
0x2: {  	s0 =	stileid.u32;
	s2 =	rddreg [dreg:$0x1];
	s3 =	simm.s32 $0x0  }
0x3: {  	s19 =	simm.s32 $0x1;
	s20 =	simm.s32 $0x5400;
	s21 =	simm.s32 $0x80  }
0x4: {  	s22 =	simm.s32 $0x2;
	s23 =	simm.s32 $0x3;
	s8 =	smul.u32 $0x14000, s0  }
0x5: {  	s24 =	simm.s32 $0x4;
	s25 =	simm.s32 $0x1380;
	s10 =	smul.u32 $0x50000, s0  }
0x6: {  	s26 =	simm.s32 $0x0;
	s9 =	sand.u32 $0x1, s1;
	s15 =	smul.u32 $0x140000, s0  }
0x7: {  	s28 =	sshll.u32 s0, $0x1;
	s1 =	rddreg [dreg:$0x2];
	s7 =	smul.u32 $0x140000, s9  }
0x8: {  	[smem:$0x7FF] =	sst s3;
	s5 =	sor.u32 s9, s28;
	s17 =	smul.u32 $0xA0000, s9  }
0x9: {  	s16 =	sadd.s32 $0x7B9400, s4;
	s29 =	ssub.s32 $0x2, s9;
	s6 =	smul.u32 $0x280, s5  }
0xa: {  	_ =	strace $0x80000050;
	s11 =	sshrl.u32 s29, $0x1;
	s12 =	smul.u32 $0xA0000, s5  }
0xb: {  	s30 =	sshrl.u32 s10, $0x2;
	s7 =	sadd.s32 s8, s7;
	s8 =	ssub.s32 s29, s11  }
0xc: {  	s15 =	sadd.s32 s17, s15;
	s6 =	sadd.s32 s6, s4;
	s7 =	sshrl.u32 s7, $0x3  }
0xd: {  	s31 =	sshrl.u32 s12, $0x3;
	s14 =	sor.u32 $0x8000, s12;
	s8 =	smax.u32 s8, $0x1  }
0xe: {  	s17 =	sor.u32 $0x10000, s15;
	s15 =	sor.u32 $0xC000, s15;
	s7 =	sadd.s32 s7, s4  }
0xf: {  	s4 =	sadd.s32 s30, s2;
	s5 =	sadd.s32 $0x2B4400, s6;
	s6 =	sadd.s32 s16, s31  }
.Ltmp0:
0x10: {  	s14 =	sshrl.u32 s14, $0x3;
	s17 =	sshrl.u32 s17, $0x3;
	(pc) =	sbr.rel .LBB2_1-.Ltmp0, $4  }
0x11: {  	s18 =	sshrl.u32 s15, $0x3;
	s7 =	sadd.s32 $0x7F400, s7;
	s9 =	sadd.s32 $0x4000, s4  }
0x12: {  	s10 =	sadd.s32 $0x8000, s4;
	s11 =	sadd.s32 $0xC000, s4;
	s12 =	sadd.s32 $0x10000, s4  }
0x13: {  	s13 =	sadd.s32 $0x800, s6;
	s14 =	sadd.s32 s16, s14;
	s15 =	sadd.s32 s17, s16  }
0x14: {  	v0 =	vimm.f32 $0.0e+00;
	s16 =	sadd.s32 s18, s16;
	s17 =	simm.s32 $0x1400;
	s18 =	simm.s32 $0x5  }
.LBB2_6:
0x15: {  	[spmem:s2] =	stream.indirect.scatter.add.f32 [tilespmem:s20], [sflag:$0x4], $0x80, s25, s21, $0xb8;
	[tilespmem:$0x1D400] =	vst v63  }
0x16: {  	_ =	swait.ge [sflag:s24], $0x4000  }
0x17: {  	s28 =	sshll.u32 s0, $0x6;
	s26 =	sadd.s32 $0x1, s26;
	[sflag:s24] =	ssyncset.done $0x0  }
0x18: {  	s29 =	sshrl.u32 s4, $0x3;
	p0 =	sne.s32 s26, s8;
	[sflag:s24] =	ssyncadd.s32 $0xFFFFC000  }
.Ltmp1:
0x19: {  	s28 =	sor.u32 $0x1C05, s28;
	[bflag:$0x0] =	sbarrier.arrive $0xFFFF;
	(pc) =	sbr.rel @!p0 .LBB2_7-.Ltmp1, $4  }
0x1a: {  	[hbm:s7], [sflag:s28] =	dma.local [spmem:s29], $0x2800  }
0x1b: {  	_ =	swait.ge [sflag:s18], $0x2800  }
0x1c: {  	[sflag:s18] =	ssyncset.done $0x0  }
0x1d: {  	[sflag:s18] =	ssyncadd.s32 $0xFFFFD800  }
.LBB2_1:
0x1e: {  	s28 =	sand.u32 $0xFE00, s3  }
0x1f: {  	s29 =	sand.u32 $0x70, s3;
	s30 =	sshrl.u32 s28, $0x2  }
0x20: {  	s28 =	simm.s32 $0x40;
	s30 =	sor.u32 s29, s30;
	s29 =	simm.s32 $0x0  }
.LBB2_2:
0x21: {  	p0 =	sne.s32 s28, $0xFFC0  }
0x22: {  	[tilespmem:s30+$0x1400] =	vst v0;
	s29 =	sadd.s32 $0x10, s29;
	s30 =	smov.u32 s28;
	s28 =	sadd.s32 $0x40, s28  }
.Ltmp2:
0x23: {  	(pc) =	sbr.rel @p0 .LBB2_2-.Ltmp2, $4  }
0x24: {  	_ = 	snop  }
0x25: {  	s30 =	sand.u32 $0xFE00, s30  }
0x26: {  	s31 =	sand.u32 $0x70, s29;
	s30 =	sshrl.u32 s30, $0x2  }
0x27: {  	s30 =	sor.u32 s31, s30  }
0x28: {  	[tilespmem:s30+$0x1400] =	vst v0  }
0x29: {  	[spmem:s4] =	stream.linear.scatter [tilespmem:s17], [sflag:$0x5], $0x4000, $0x38;
	[tilespmem:$0x1D400] =	vst v63  }
0x2a: {  	_ =	swait.ge [sflag:s18], $0x4000  }
0x2b: {  	[sflag:s18] =	ssyncset.done $0x0  }
0x2c: {  	[sflag:s18] =	ssyncadd.s32 $0xFFFFC000  }
0x2d: {  	[spmem:s9] =	stream.linear.scatter [tilespmem:s17], [sflag:$0x5], $0x4000, $0x38;
	[tilespmem:$0x1D400] =	vst v63  }
0x2e: {  	_ =	swait.ge [sflag:s18], $0x4000  }
0x2f: {  	[sflag:s18] =	ssyncset.done $0x0  }
0x30: {  	[sflag:s18] =	ssyncadd.s32 $0xFFFFC000  }
0x31: {  	[spmem:s10] =	stream.linear.scatter [tilespmem:s17], [sflag:$0x5], $0x4000, $0x38;
	[tilespmem:$0x1D400] =	vst v63  }
0x32: {  	_ =	swait.ge [sflag:s18], $0x4000  }
0x33: {  	[sflag:s18] =	ssyncset.done $0x0  }
0x34: {  	[sflag:s18] =	ssyncadd.s32 $0xFFFFC000  }
0x35: {  	[spmem:s11] =	stream.linear.scatter [tilespmem:s17], [sflag:$0x5], $0x4000, $0x38;
	[tilespmem:$0x1D400] =	vst v63  }
0x36: {  	_ =	swait.ge [sflag:s18], $0x4000  }
0x37: {  	[sflag:s18] =	ssyncset.done $0x0  }
0x38: {  	[sflag:s18] =	ssyncadd.s32 $0xFFFFC000  }
0x39: {  	[spmem:s12] =	stream.linear.scatter [tilespmem:s17], [sflag:$0x5], $0x4000, $0x38;
	[tilespmem:$0x1D400] =	vst v63  }
0x3a: {  	_ =	swait.ge [sflag:s18], $0x4000  }
0x3b: {  	[sflag:s18] =	ssyncset.done $0x0  }
0x3c: {  	[sflag:s18] =	ssyncadd.s32 $0xFFFFC000  }
0x3d: {  	s28 =	simm.s32 $0x0;
	[bflag:$0x0] =	sbarrier.arrive $0xFFFF  }
0x3e: {  	[tilespmem:s28], [sflag:$0x5] =	stream.linear.gather [hbm4b:s5+s28], $0x1400, $0x38;
	[tilespmem:$0x1D400] =	vst v63  }
0x3f: {  	_ =	swait.ge [sflag:s18], $0x1400  }
0x40: {  	[sflag:s18] =	ssyncset.done $0x0  }
0x41: {  	[sflag:s18] =	ssyncadd.s32 $0xFFFFEC00  }
0x42: {  	[tilespmem:s17], [sflag:$0x1] =	stream.linear.gather [hbm4b:s6+s28], $0x4000, $0x38;
	[tilespmem:$0x1D400] =	vst v63  }
0x43: {  	_ =	swait.ge [sflag:s19], $0x4000  }
0x44: {  	[sflag:s19] =	ssyncset.done $0x0  }
0x45: {  	[sflag:s19] =	ssyncadd.s32 $0xFFFFC000  }
0x46: {  	[tilespmem:s20], [sflag:$0x2] =	stream.linear.gather [hbm4b:s13+s28], $0x4000, $0x38;
	[tilespmem:$0x1D400] =	vst v63  }
0x47: {  	_ = 	snop  }
0x48: {  	[spmem:s2] =	stream.indirect.scatter.add.f32 [tilespmem:s17], [sflag:$0x3], $0x80, s28, s21, $0xb8;
	[tilespmem:$0x1D400] =	vst v63  }
0x49: {  	_ =	swait.ge [sflag:s22], $0x4000  }
0x4a: {  	[sflag:s22] =	ssyncset.done $0x0  }
0x4b: {  	[sflag:s22] =	ssyncadd.s32 $0xFFFFC000  }
0x4c: {  	_ =	swait.ge [sflag:s23], $0x4000  }
0x4d: {  	[sflag:s23] =	ssyncset.done $0x0  }
0x4e: {  	[sflag:s23] =	ssyncadd.s32 $0xFFFFC000  }
0x4f: {  	[tilespmem:s17], [sflag:$0x1] =	stream.linear.gather [hbm4b:s14+s28], $0x4000, $0x38;
	[tilespmem:$0x1D400] =	vst v63  }
0x50: {  	s29 =	simm.s32 $0x100  }
0x51: {  	[spmem:s2] =	stream.indirect.scatter.add.f32 [tilespmem:s20], [sflag:$0x4], $0x80, s21, s21, $0xb8;
	[tilespmem:$0x1D400] =	vst v63  }
.LBB2_4:
0x52: {  	_ =	swait.ge [sflag:s19], $0x4000  }
0x53: {  	[sflag:s19] =	ssyncset.done $0x0  }
0x54: {  	[sflag:s19] =	ssyncadd.s32 $0xFFFFC000  }
0x55: {  	_ =	swait.ge [sflag:s24], $0x4000  }
0x56: {  	[sflag:s24] =	ssyncset.done $0x0  }
0x57: {  	s30 =	sadd.s32 s28, s16;
	[sflag:s24] =	ssyncadd.s32 $0xFFFFC000  }
0x58: {  	[tilespmem:s20], [sflag:$0x2] =	stream.linear.gather [hbm4b:s30+s3], $0x4000, $0x38;
	[tilespmem:$0x1D400] =	vst v63  }
0x59: {  	_ = 	snop  }
0x5a: {  	[spmem:s2] =	stream.indirect.scatter.add.f32 [tilespmem:s17], [sflag:$0x3], $0x80, s29, s21, $0xb8;
	[tilespmem:$0x1D400] =	vst v63  }
0x5b: {  	p0 =	seq.s32 s28, $0x12000;
	_ =	swait.ge [sflag:s22], $0x4000  }
.Ltmp3:
0x5c: {  	[sflag:s22] =	ssyncset.done $0x0;
	(pc) =	sbr.rel @p0 .LBB2_6-.Ltmp3, $4  }
0x5d: {  	[sflag:s22] =	ssyncadd.s32 $0xFFFFC000  }
0x5e: {  	_ =	swait.ge [sflag:s23], $0x4000  }
0x5f: {  	[sflag:s23] =	ssyncset.done $0x0  }
0x60: {  	[sflag:s23] =	ssyncadd.s32 $0xFFFFC000  }
.Ltmp4:
0x61: {  	(pc) =	sbr.rel .LBB2_4-.Ltmp4, $4  }
0x62: {  	s30 =	sadd.s32 s28, s15  }
0x63: {  	[tilespmem:s17], [sflag:$0x1] =	stream.linear.gather [hbm4b:s30+s3], $0x4000, $0x38;
	[tilespmem:$0x1D400] =	vst v63  }
0x64: {  	s31 =	sadd.s32 $0x80, s29;
	s28 =	sadd.s32 $0x1000, s28;
	s29 =	sadd.s32 $0x100, s29  }
0x65: {  	[spmem:s2] =	stream.indirect.scatter.add.f32 [tilespmem:s20], [sflag:$0x4], $0x80, s31, s21, $0xb8;
	[tilespmem:$0x1D400] =	vst v63  }
.LBB2_7:
0x66: {  	_ =	sfence.sel $0x180000  }
0x67: {  	[bflag:$0x0] =	sbarrier.arrive $0xFFFF  }
0x68: {  	p0 =	sne.s32 s0, $0x0;
	_ =	strace $0x90000050  }
0x69: {  	s0 =	sadd.s32 @!p0 $0x100000, s1;
	[bflag:$0x2] =	sbarrier.arrive $0xFFFF  }
0x6a: {  	[sflag:s0] =	ssyncadd.tile.s32 @!p0 $0x1;
	_ =	shalt  }
.Lfunc_end2:
_tile_overlayer_lowered:
.L_overlay_start_2:
0x6b: {  	(tag) =	ssettag $0x2  }
0x6c: {  	s0 =	rddreg [dreg:$0x0];
	s2 =	stileid.u32  }
0x6d: {  	s1 =	rddreg [dreg:$0x1];
	p0 =	sne.s32 s2, $0x0  }
0x6e: {  	s3 =	rddreg [dreg:$0x2];
	[bflag:$0x3] =	sbarrier.arrive $0xFFFF;
	s2 =	simm.s32 @!p0 $0x1C05  }
0x6f: {  	[timem:s3], [sflag:s2] =	dma.local @!p0 [hbm:s0], s1  }
0x70: {  	s0 =	simm.s32 @!p0 $0x5  }
0x71: {  	_ =	swait.ge @!p0 [sflag:s0], s1  }
0x72: {  	s1 =	ssub.s32 @!p0 $0x0, s1;
	[sflag:s0] =	ssyncset.done @!p0 $0x0  }
0x73: {  	[sflag:s0] =	ssyncadd.s32 @!p0 s1  }
0x74: {  	[bflag:$0x3] =	sbarrier.arrive $0xFFFF  }
0x75: {  	_ =	shalt  }

// kernel: kernel.15.cloned.1.call-start
scs
__scs_entry_jumppad:
0x0: {  	(pc) =	sbr.rel $0x88, $3  }
0x1: {  	(tag) =	ssettag $0x0;
	lr =	simm.s32 $0x1  }
0x2: {  	[smem:$0x3F96] =	sst lr;
	_ =	strace $0xD0000000  }
0x3: {  	_ = 	snop  }
0x4: {  	_ = 	snop  }
0x5: {  	_ = 	snop  }
0x6: {  	_ = 	snop  }
0x7: {  	_ = 	snop  }
__scs_overlays_trampoline_lowered:
0x8: {  	[smem:$0x3FA5] =	sst s0  }
0x9: {  	[smem:$0x3FA6] =	sst s1  }
0xa: {  	[smem:$0x3FA7] =	sst s2  }
0xb: {  	[smem:$0x3FA8] =	sst s3  }
0xc: {  	[smem:$0x3FA9] =	sst s4  }
0xd: {  	[smem:$0x3FAA] =	sst s5  }
0xe: {  	[smem:$0x3FAB] =	sst s6  }
0xf: {  	[smem:$0x3FAC] =	sst s7  }
0x10: {  	[smem:$0x3FAD] =	sst s8  }
0x11: {  	[smem:$0x3FAE] =	sst s9;
	s0 =	simm.s32 @!p0 $0x0  }
0x12: {  	s1 =	sld [smem:$0x3F94];
	s0 =	simm.s32 @p0 $0x1  }
0x13: {  	[smem:$0x3FAF] =	sst s0;
	s0 =	simm.s32 @!p1 $0x0  }
0x14: {  	s2 =	sld [smem:$0x3F93];
	s0 =	simm.s32 @p1 $0x1  }
0x15: {  	[smem:$0x3FB0] =	sst s0;
	s0 =	simm.s32 @!p2 $0x0  }
0x16: {  	s3 =	sld [smem:$0x3FDB];
	s0 =	simm.s32 @p2 $0x1  }
0x17: {  	s4 =	simm.s32 $0x1BF5;
	[smem:$0x3FB2] =	sst s0  }
0x18: {  	s0 =	sld [smem:$0x3F95];
	_ =	swait.ge [sflag:s4], $0x0  }
0x19: {  	s7 =	sld [smem:$0x3F96]  }
0x1a: {  	s8 =	sadd.s32 $0xFFFFE003, lr  }
0x1b: {  	s9 =	sadd.s32 $0xFFFFFEF7, lr;
	s5 =	simm.s32 $0xFFFFFFFF;
	p2 =	slt.u32 s8, $0xFFFFF086  }
0x1c: {  	p1 =	slt.u32 s9, $0xF7A;
	s5 =	simm.s32 @!p2 $0x0  }
0x1d: {  	s5 =	simm.s32 @p1 $0x1;
	p0 =	seq.s32 s7, s2  }
0x1e: {  	s7 =	smul.u32 @!p0 $0xF7A, s2;
	p2 =	seq.s32 @!p0 s5, $0x0  }
0x1f: {  	s9 =	smul.u32 $0xF7A, s1;
	s8 =	simm.s32 @!p0 $0x1BF5;
	p2 =	por !p2, p0  }
0x20: {  	[sflag:s8] =	ssyncset.s32 @!p0 $0xFFFFF086;
	s6 =	sadd.s32 @!p0 s3, s7;
	s7 =	simm.s32 @!p0 $0x108  }
0x21: {  	s3 =	sadd.s32 s3, s9;
	s6 =	sadd.s32 @!p0 $0x88, s6;
	s7 =	simm.s32 @p2 $0x1082  }
0x22: {  	[simem:s7], [sflag:s8] =	dma.local @!p0 [hbm:s6], $0xF7A  }
0x23: {  	s9 =	sor.u32 $0xD0000000, s2;
	s6 =	simm.s32 $0x108;
	_ =	swait.ge @!p0 [sflag:s8], $0x0  }
0x24: {  	s3 =	sadd.s32 $0x88, s3;
	s6 =	simm.s32 @!p1 $0x1082;
	[sflag:s4] =	ssyncset.s32 $0xFFFFF086  }
0x25: {  	[simem:s6], [sflag:s4] =	dma.local [hbm:s3], $0xF7A  }
0x26: {  	[smem:$0x3F96] =	sst s1;
	(tag) =	ssettag s2;
	_ =	strace s9  }
0x27: {  	s1 =	sld [smem:$0x3FA6]  }
0x28: {  	s2 =	sld [smem:$0x3FA7]  }
0x29: {  	s4 =	sld [smem:$0x3FA9]  }
0x2a: {  	p0 =	seq.s32 s5, $0x0;
	s5 =	sld [smem:$0x3FAA]  }
0x2b: {  	s6 =	sld [smem:$0x3FAB]  }
0x2c: {  	s7 =	sld [smem:$0x3FAC]  }
0x2d: {  	s3 =	simm.s32 $0x108;
	s8 =	sld [smem:$0x3FAD]  }
0x2e: {  	s3 =	simm.s32 @!p0 $0x1082;
	s9 =	sld [smem:$0x3FAE]  }
0x2f: {  	lr =	sadd.s32 s0, s3;
	s0 =	sld [smem:$0x3FA5]  }
0x30: {  	s3 =	sld [smem:$0x3FA8]  }
0x31: {  	[smem:$0x3FB1] =	sst s10  }
0x32: {  	s10 =	sld [smem:$0x3FAF];
	_ =	sdelay $0x3  }
0x33: {  	p0 =	seq.s32 s10, $0x1;
	s10 =	sld [smem:$0x3FB1];
	_ =	sdelay $0x3  }
0x34: {  	[smem:$0x3FB1] =	sst s10  }
0x35: {  	s10 =	sld [smem:$0x3FB0];
	_ =	sdelay $0x3  }
0x36: {  	p1 =	seq.s32 s10, $0x1;
	s10 =	sld [smem:$0x3FB1];
	_ =	sdelay $0x3  }
0x37: {  	[smem:$0x3FB1] =	sst s10  }
0x38: {  	s10 =	sld [smem:$0x3FB2]  }
0x39: {  	_ = 	snop;
	(pc) =	sbr.ind lr, $3  }
0x3a: {  	_ = 	snop  }
0x3b: {  	_ = 	snop  }
0x3c: {  	p2 =	seq.s32 s10, $0x1;
	s10 =	sld [smem:$0x3FB1]  }
0x3d: {  	_ =	shalt  }
0x3e: {  	_ =	shalt  }
0x3f: {  	_ =	shalt  }
0x40: {  	_ =	shalt  }
0x41: {  	_ =	shalt  }
0x42: {  	_ =	shalt  }
0x43: {  	_ =	shalt  }
0x44: {  	_ =	shalt  }
0x45: {  	_ =	shalt  }
0x46: {  	_ =	shalt  }
0x47: {  	_ =	shalt  }
0x48: {  	_ =	shalt  }
0x49: {  	_ =	shalt  }
0x4a: {  	_ =	shalt  }
0x4b: {  	_ =	shalt  }
0x4c: {  	_ =	shalt  }
0x4d: {  	_ =	shalt  }
0x4e: {  	_ =	shalt  }
0x4f: {  	_ =	shalt  }
0x50: {  	_ =	shalt  }
0x51: {  	_ =	shalt  }
0x52: {  	_ =	shalt  }
0x53: {  	_ =	shalt  }
0x54: {  	_ =	shalt  }
0x55: {  	_ =	shalt  }
0x56: {  	_ =	shalt  }
0x57: {  	_ =	shalt  }
0x58: {  	_ =	shalt  }
0x59: {  	_ =	shalt  }
0x5a: {  	_ =	shalt  }
0x5b: {  	_ =	shalt  }
0x5c: {  	_ =	shalt  }
0x5d: {  	_ =	shalt  }
0x5e: {  	_ =	shalt  }
0x5f: {  	_ =	shalt  }
0x60: {  	_ =	shalt  }
0x61: {  	_ =	shalt  }
0x62: {  	_ =	shalt  }
0x63: {  	_ =	shalt  }
0x64: {  	_ =	shalt  }
0x65: {  	_ =	shalt  }
0x66: {  	_ =	shalt  }
0x67: {  	_ =	shalt  }
0x68: {  	_ =	shalt  }
0x69: {  	_ =	shalt  }
0x6a: {  	_ =	shalt  }
0x6b: {  	_ =	shalt  }
0x6c: {  	_ =	shalt  }
0x6d: {  	_ =	shalt  }
0x6e: {  	_ =	shalt  }
0x6f: {  	_ =	shalt  }
0x70: {  	_ =	shalt  }
0x71: {  	_ =	shalt  }
0x72: {  	_ =	shalt  }
0x73: {  	_ =	shalt  }
0x74: {  	_ =	shalt  }
0x75: {  	_ =	shalt  }
0x76: {  	_ =	shalt  }
0x77: {  	_ =	shalt  }
0x78: {  	_ =	shalt  }
0x79: {  	_ =	shalt  }
0x7a: {  	_ =	shalt  }
0x7b: {  	_ =	shalt  }
0x7c: {  	_ =	shalt  }
0x7d: {  	_ =	shalt  }
0x7e: {  	_ =	shalt  }
0x7f: {  	_ =	shalt  }
0x80: {  	_ =	shalt  }
0x81: {  	_ =	shalt  }
0x82: {  	_ =	shalt  }
0x83: {  	_ =	shalt  }
0x84: {  	_ =	shalt  }
0x85: {  	_ =	shalt  }
0x86: {  	_ =	shalt  }
0x87: {  	_ =	shalt  }
.Lfunc_end0:
.L_simem_size_0:
called_computation.2_lowered:
.L_overlay_start_0:
0x88: {  	s2 =	sld [smem:$0x3FD9]  }
0x89: {  	s3 =	sld [smem:$0x3FFE];
	_ =	sdelay $0x1  }
0x8a: {  	s1 =	srdreg.scid  }
0x8b: {  	s0 =	sand.u32 $0x1, s1  }
0x8c: {  	s16 =	sshll.u32 s0, $0xA;
	s2 =	sadd.s32 s3, s2  }
0x8d: {  	s2 =	sadd.s32 s2, s16  }
0x8e: {  	[smem:$0x3FBD] =	sst s2  }
0x8f: {  	_ = 	snop  }
0x90: {  	(tm) =	ssettm $0x1  }
0x91: {  	s17 =	sld [smem:$0x3FFB];
	_ =	sdelay $0x3  }
0x92: {  	_ =	strace s17  }
0x93: {  	s2 =	sld [smem:$0x3FFC];
	_ =	sdelay $0x3  }
0x94: {  	_ =	strace s2  }
0x95: {  	s2 =	sld [smem:$0x3FFD];
	_ =	sdelay $0x3  }
0x96: {  	_ =	strace s2  }
0x97: {  	_ =	strace $0x8FFFFFFF  }
0x98: {  	s18 =	sld [smem:$0x3FDB];
	_ =	sdelay $0x1  }
0x99: {  	s19 =	simm.s32 $_scs_section_size  }
0x9a: {  	s4 =	simm.s32 $_size__tile_overlayer_lowered;
	s5 =	simm.s32 $_tile_overlayer_lowered  }
0x9b: {  	s22 =	simm.s32 $0x1BFF;
	s21 =	sshll.u32 s5, $0x1;
	s2 =	sadd.s32 s19, s18  }
0x9c: {  	s6 =	simm.s32 $0x0;
	s20 =	sshll.u32 s4, $0x1;
	s4 =	sadd.s32 s21, s2  }
0x9d: {  	[timem:s6], [sflag:s22] =	dma.local [hbm:s4], s20  }
0x9e: {  	_ =	swait.ge [sflag:s22], s20  }
0x9f: {  	s3 =	ssub.s32 $0x0, s20;
	[sflag:s22] =	ssyncset.done $0x0  }
0xa0: {  	[sflag:s22] =	ssyncadd.s32 s3;
	_ =	sdelay $0x1  }
0xa1: {  	s23 =	simm.s32 $0x1B8B  }
0xa2: {  	_ =	swait.ge [sflag:s23], $0x1  }
0xa3: {  	[sflag:s23] =	ssyncset.done $0x0  }
0xa4: {  	s25 =	simm.s32 $0x1B8E;
	s24 =	sld [smem:$0x3FFE];
	[sflag:s23] =	ssyncadd.s32 $0xFFFFFFFF  }
0xa5: {  	s26 =	simm.s32 $execute0_lowered;
	[smem:$0x3FD2] =	sst s25  }
0xa6: {  	s4 =	sshll.u32 s26, $0x1;
	_ =	strace $0x80000046;
	[dreg:$0x1] =	wrdreg $0xFFFFFFFF  }
0xa7: {  	s28 =	simm.s32 $_size_execute0_lowered;
	s2 =	sadd.s32 s2, s4;
	[dreg:$0x0] =	wrdreg $0x0  }
0xa8: {  	s4 =	sshll.u32 s28, $0x1;
	[dreg:$0x2] =	wrdreg s2  }
0xa9: {  	[dreg:$0x3] =	wrdreg s4  }
0xaa: {  	[dreg:$0x4] =	wrdreg $0xC0  }
0xab: {  	_ =	task [dreg:s6], $0x5FFFF  }
0xac: {  	[dreg:$0x1] =	wrdreg $0xFFFFFFFF  }
0xad: {  	[dreg:$0x0] =	wrdreg $0x60  }
0xae: {  	[dreg:$0x2] =	wrdreg s24  }
0xaf: {  	[dreg:$0x3] =	wrdreg $0x94000  }
0xb0: {  	[dreg:$0x4] =	wrdreg $0xA  }
0xb1: {  	_ =	task.clear_ibuf [dreg:s6], $0x5FFFF;
	_ =	strace $0x90000046  }
0xb2: {  	s29 =	simm.s32 $0xA;
	_ =	strace $0x80000048  }
0xb3: {  	_ =	swait.ge [sflag:s29], $0x1  }
0xb4: {  	[sflag:s29] =	ssyncadd.s32 $0xFFFFFFFF  }
0xb5: {  	_ =	strace $0x90000048  }
0xb6: {  	_ =	sfence  }
0xb7: {  	s30 =	sld [smem:$0x0];
	_ =	sdelay $0x2  }
0xb8: {  	s31 =	sshll.u32 s1, $0xD;
	s1 =	sshrl.u32 s1, $0x2  }
0xb9: {  	s3 =	sand.u32 $0x4000, s31;
	s1 =	sadd.s32 s1, s30  }
0xba: {  	s0 =	sor.u32 s3, s0;
	s1 =	sshll.u32 s1, $0x11  }
0xbb: {  	s0 =	sor.u32 s1, s0  }
0xbc: {  	s0 =	sadd.s32 $0x8F2B, s0  }
0xbd: {  	[sflag:s0] =	ssyncadd.remote.s32 $0x1  }
0xbe: {  	_ =	sfence.sel $0xFFFF  }
0xbf: {  	[dreg:$0x0] =	wrdreg $0xFFFFFFFF;
	(pc) =	sbr.abs _section_cstart, $3  }
0xc0: {  	[dreg:$0x1] =	wrdreg $0xFFFFFFFF  }
0xc1: {  	_ =	task.clear_ibuf [dreg:s6], $0x2FFFF;
	_ =	strace $0x9FFFFFFF  }
0xc2: {  	(tm) =	ssettm $0x7FFFFFFF  }
0xc3: {  	_ =	shalt  }
tec
execute0_lowered:
.L_overlay_start_1:
0x0: {  	(tag) =	ssettag $0x1  }
0x1: {  	s4 =	rddreg [dreg:$0x0]  }
0x2: {  	s2 =	rddreg [dreg:$0x1];
	s1 =	stileid.u32  }
0x3: {  	s3 =	srdreg.scid;
	s0 =	rddreg [dreg:$0x2];
	s17 =	simm.s32 $0x1400  }
0x4: {  	s18 =	simm.s32 $0x1;
	s19 =	simm.s32 $0x5400;
	s20 =	simm.s32 $0x2  }
0x5: {  	s21 =	simm.s32 $0x3;
	s22 =	simm.s32 $0x100;
	s23 =	simm.s32 $0x4  }
0x6: {  	s24 =	simm.s32 $0x1380;
	s5 =	sand.u32 $0x1, s3;
	s7 =	smul.u32 $0x2800, s1  }
0x7: {  	s6 =	sshll.u32 s1, $0x1;
	s3 =	simm.s32 $0x0;
	s9 =	smul.u32 $0x50000, s1  }
0x8: {  	s13 =	sadd.s32 $0x2F400, s4;
	s26 =	smul.u32 $0x140000, s1;
	s28 =	sshll.u32 s1, $0x6  }
0x9: {  	s6 =	sor.u32 s5, s6;
	[smem:$0x7FF] =	sst s3;
	s12 =	smul.u32 $0xA0000, s5  }
0xa: {  	s25 =	ssub.s32 $0x2, s5;
	s5 =	sor.u32 $0x1C05, s28;
	s8 =	smul.u32 $0x280, s6  }
0xb: {  	_ =	strace $0x80000047;
	s7 =	sadd.s32 s7, s4;
	s10 =	sshrl.u32 s25, $0x1  }
0xc: {  	s9 =	sshrl.u32 s9, $0x2;
	s11 =	smul.u32 $0xA0000, s6;
	s10 =	ssub.s32 s25, s10  }
0xd: {  	s14 =	sadd.s32 s9, s2;
	s30 =	sadd.s32 s12, s26;
	s25 =	simm.s32 $0x0  }
0xe: {  	s8 =	sadd.s32 s8, s4;
	s4 =	sadd.s32 $0x7400, s7;
	s29 =	sshrl.u32 s11, $0x3  }
0xf: {  	s7 =	smax.u32 s10, $0x1;
	s31 =	sor.u32 $0x8000, s30;
	s12 =	sor.u32 $0xC000, s30  }
0x10: {  	s14 =	sshrl.u32 s14, $0x3;
	s6 =	sadd.s32 $0x2400, s8;
	s8 =	sadd.s32 s13, s29  }
0x11: {  	s15 =	sshrl.u32 s31, $0x3;
	s16 =	sshrl.u32 s12, $0x3;
	s9 =	sadd.s32 $0x800, s8  }
0x12: {  	s10 =	sadd.s32 $0x13000, s8;
	s11 =	sadd.s32 $0x13800, s8;
	s12 =	sadd.s32 s15, s13  }
0x13: {  	s13 =	sadd.s32 s16, s13;
	s15 =	simm.s32 $0x5;
	s16 =	simm.s32 $0x80  }
.LBB2_1:
0x14: {  	[spmem:s14], [sflag:s5] =	dma.local [hbm:s4], $0x2800  }
0x15: {  	_ =	swait.ge [sflag:s15], $0x2800  }
0x16: {  	[sflag:s15] =	ssyncset.done $0x0  }
0x17: {  	[sflag:s15] =	ssyncadd.s32 $0xFFFFD800  }
0x18: {  	[tilespmem:s3], [sflag:$0x5] =	stream.linear.gather [hbm4b:s6+s3], $0x1400, $0x38;
	[tilespmem:$0x1D400] =	vst v63  }
0x19: {  	_ =	swait.ge [sflag:s15], $0x1400  }
0x1a: {  	[sflag:s15] =	ssyncset.done $0x0  }
0x1b: {  	[sflag:s15] =	ssyncadd.s32 $0xFFFFEC00  }
0x1c: {  	[bflag:$0x0] =	sbarrier.arrive $0xFFFF  }
0x1d: {  	[tilespmem:s17], [sflag:$0x1] =	stream.indirect.gather [spmem:s2], $0x80, s3, s16, $0xb8;
	[tilespmem:$0x1D400] =	vst v63  }
0x1e: {  	_ =	swait.ge [sflag:s18], $0x4000  }
0x1f: {  	[sflag:s18] =	ssyncset.done $0x0  }
0x20: {  	[sflag:s18] =	ssyncadd.s32 $0xFFFFC000  }
0x21: {  	[tilespmem:s19], [sflag:$0x2] =	stream.indirect.gather [spmem:s2], $0x80, s16, s16, $0xb8;
	[tilespmem:$0x1D400] =	vst v63  }
0x22: {  	_ = 	snop  }
0x23: {  	[hbm4b:s8+s3] =	stream.linear.scatter [tilespmem:s17], [sflag:$0x3], $0x4000, $0x38;
	[tilespmem:$0x1D400] =	vst v63  }
0x24: {  	_ =	swait.ge [sflag:s20], $0x4000  }
0x25: {  	[sflag:s20] =	ssyncset.done $0x0  }
0x26: {  	[sflag:s20] =	ssyncadd.s32 $0xFFFFC000  }
0x27: {  	_ =	swait.ge [sflag:s21], $0x4000  }
0x28: {  	[sflag:s21] =	ssyncset.done $0x0  }
0x29: {  	[sflag:s21] =	ssyncadd.s32 $0xFFFFC000  }
0x2a: {  	[tilespmem:s17], [sflag:$0x1] =	stream.indirect.gather [spmem:s2], $0x80, s22, s16, $0xb8;
	[tilespmem:$0x1D400] =	vst v63  }
0x2b: {  	_ = 	snop  }
0x2c: {  	[hbm4b:s9+s3] =	stream.linear.scatter [tilespmem:s19], [sflag:$0x4], $0x4000, $0x38;
	[tilespmem:$0x1D400] =	vst v63  }
0x2d: {  	_ =	swait.ge [sflag:s18], $0x4000  }
0x2e: {  	[sflag:s18] =	ssyncset.done $0x0  }
0x2f: {  	[sflag:s18] =	ssyncadd.s32 $0xFFFFC000  }
0x30: {  	_ =	swait.ge [sflag:s23], $0x4000  }
0x31: {  	[sflag:s23] =	ssyncset.done $0x0  }
0x32: {  	s26 =	simm.s32 $0x180;
	[sflag:s23] =	ssyncadd.s32 $0xFFFFC000  }
0x33: {  	[tilespmem:s19], [sflag:$0x2] =	stream.indirect.gather [spmem:s2], $0x80, s26, s16, $0xb8;
	[tilespmem:$0x1D400] =	vst v63  }
0x34: {  	s30 =	sadd.s32 $0x0, s12  }
0x35: {  	[hbm4b:s30+s3] =	stream.linear.scatter [tilespmem:s17], [sflag:$0x3], $0x4000, $0x38;
	[tilespmem:$0x1D400] =	vst v63  }
0x36: {  	_ =	swait.ge [sflag:s20], $0x4000  }
0x37: {  	[sflag:s20] =	ssyncset.done $0x0  }
0x38: {  	[sflag:s20] =	ssyncadd.s32 $0xFFFFC000  }
0x39: {  	_ =	swait.ge [sflag:s21], $0x4000  }
0x3a: {  	s31 =	simm.s32 $0x200;
	s29 =	sadd.s32 $0x0, s13;
	[sflag:s21] =	ssyncset.done $0x0  }
0x3b: {  	s28 =	simm.s32 $0x300;
	s26 =	simm.s32 $0x1000;
	[sflag:s21] =	ssyncadd.s32 $0xFFFFC000  }
0x3c: {  	[tilespmem:s17], [sflag:$0x1] =	stream.indirect.gather [spmem:s2], $0x80, s31, s16, $0xb8;
	[tilespmem:$0x1D400] =	vst v63  }
.LBB2_2:
0x3d: {  	[hbm4b:s29+s3] =	stream.linear.scatter [tilespmem:s19], [sflag:$0x4], $0x4000, $0x38;
	[tilespmem:$0x1D400] =	vst v63  }
0x3e: {  	s29 =	smov.u32 s26  }
0x3f: {  	p0 =	sne.s32 s26, $0x11000;
	s26 =	sadd.s32 $0x1000, s26;
	_ =	swait.ge [sflag:s18], $0x4000  }
0x40: {  	[sflag:s18] =	ssyncset.done $0x0  }
0x41: {  	[sflag:s18] =	ssyncadd.s32 $0xFFFFC000  }
0x42: {  	_ =	swait.ge [sflag:s23], $0x4000  }
0x43: {  	[sflag:s23] =	ssyncset.done $0x0  }
0x44: {  	s30 =	sadd.s32 $0xFFFFFF80, s28;
	[sflag:s23] =	ssyncadd.s32 $0xFFFFC000  }
0x45: {  	[tilespmem:s19], [sflag:$0x2] =	stream.indirect.gather [spmem:s2], $0x80, s30, s16, $0xb8;
	[tilespmem:$0x1D400] =	vst v63  }
0x46: {  	s30 =	sadd.s32 s29, s12  }
0x47: {  	[hbm4b:s30+s3] =	stream.linear.scatter [tilespmem:s17], [sflag:$0x3], $0x4000, $0x38;
	[tilespmem:$0x1D400] =	vst v63  }
0x48: {  	_ =	swait.ge [sflag:s20], $0x4000  }
0x49: {  	[sflag:s20] =	ssyncset.done $0x0  }
0x4a: {  	[sflag:s20] =	ssyncadd.s32 $0xFFFFC000  }
.Ltmp0:
0x4b: {  	_ =	swait.ge [sflag:s21], $0x4000;
	(pc) =	sbr.rel @p0 .LBB2_2-.Ltmp0, $4  }
0x4c: {  	[sflag:s21] =	ssyncset.done $0x0  }
0x4d: {  	[sflag:s21] =	ssyncadd.s32 $0xFFFFC000  }
0x4e: {  	[tilespmem:s17], [sflag:$0x1] =	stream.indirect.gather [spmem:s2], $0x80, s28, s16, $0xb8;
	[tilespmem:$0x1D400] =	vst v63  }
0x4f: {  	s29 =	sadd.s32 s29, s13;
	s28 =	sadd.s32 $0x100, s28  }
0x50: {  	[hbm4b:s29+s3] =	stream.linear.scatter [tilespmem:s19], [sflag:$0x4], $0x4000, $0x38;
	[tilespmem:$0x1D400] =	vst v63  }
0x51: {  	_ =	swait.ge [sflag:s18], $0x4000  }
0x52: {  	[sflag:s18] =	ssyncset.done $0x0  }
0x53: {  	[sflag:s18] =	ssyncadd.s32 $0xFFFFC000  }
0x54: {  	_ =	swait.ge [sflag:s23], $0x4000  }
0x55: {  	[sflag:s23] =	ssyncset.done $0x0  }
0x56: {  	[sflag:s23] =	ssyncadd.s32 $0xFFFFC000  }
0x57: {  	[tilespmem:s19], [sflag:$0x2] =	stream.indirect.gather [spmem:s2], $0x80, s24, s16, $0xb8;
	[tilespmem:$0x1D400] =	vst v63  }
0x58: {  	_ = 	snop  }
0x59: {  	[hbm4b:s10+s3] =	stream.linear.scatter [tilespmem:s17], [sflag:$0x3], $0x4000, $0x38;
	[tilespmem:$0x1D400] =	vst v63  }
0x5a: {  	_ =	swait.ge [sflag:s20], $0x4000  }
0x5b: {  	[sflag:s20] =	ssyncset.done $0x0  }
0x5c: {  	[sflag:s20] =	ssyncadd.s32 $0xFFFFC000  }
0x5d: {  	s25 =	sadd.s32 $0x1, s25;
	_ =	swait.ge [sflag:s21], $0x4000  }
0x5e: {  	p0 =	sne.s32 s25, s7;
	[sflag:s21] =	ssyncset.done $0x0  }
.Ltmp1:
0x5f: {  	[sflag:s21] =	ssyncadd.s32 $0xFFFFC000;
	(pc) =	sbr.rel @p0 .LBB2_1-.Ltmp1, $4  }
0x60: {  	[hbm4b:s11+s3] =	stream.linear.scatter [tilespmem:s19], [sflag:$0x4], $0x4000, $0x38;
	[tilespmem:$0x1D400] =	vst v63  }
0x61: {  	_ =	swait.ge [sflag:s23], $0x4000  }
0x62: {  	[sflag:s23] =	ssyncset.done $0x0  }
0x63: {  	[sflag:s23] =	ssyncadd.s32 $0xFFFFC000  }
0x64: {  	_ =	sfence.sel $0x180000  }
0x65: {  	[bflag:$0x0] =	sbarrier.arrive $0xFFFF  }
0x66: {  	p0 =	sne.s32 s1, $0x0;
	_ =	strace $0x90000047  }
0x67: {  	s0 =	sadd.s32 @!p0 $0x100000, s0;
	[bflag:$0x2] =	sbarrier.arrive $0xFFFF  }
0x68: {  	[sflag:s0] =	ssyncadd.tile.s32 @!p0 $0x1;
	_ =	shalt  }
.Lfunc_end2:
_tile_overlayer_lowered:
.L_overlay_start_2:
0x69: {  	(tag) =	ssettag $0x2  }
0x6a: {  	s0 =	rddreg [dreg:$0x0];
	s2 =	stileid.u32  }
0x6b: {  	s1 =	rddreg [dreg:$0x1];
	p0 =	sne.s32 s2, $0x0  }
0x6c: {  	s3 =	rddreg [dreg:$0x2];
	[bflag:$0x3] =	sbarrier.arrive $0xFFFF;
	s2 =	simm.s32 @!p0 $0x1C05  }
0x6d: {  	[timem:s3], [sflag:s2] =	dma.local @!p0 [hbm:s0], s1  }
0x6e: {  	s0 =	simm.s32 @!p0 $0x5  }
0x6f: {  	_ =	swait.ge @!p0 [sflag:s0], s1  }
0x70: {  	s1 =	ssub.s32 @!p0 $0x0, s1;
	[sflag:s0] =	ssyncset.done @!p0 $0x0  }
0x71: {  	[sflag:s0] =	ssyncadd.s32 @!p0 s1  }
0x72: {  	[bflag:$0x3] =	sbarrier.arrive $0xFFFF  }
0x73: {  	_ =	shalt  }

// kernel: kernel.18.cloned.1.call-start
scs
__scs_entry_jumppad:
0x0: {  	(pc) =	sbr.rel $0x88, $3  }
0x1: {  	(tag) =	ssettag $0x0;
	lr =	simm.s32 $0x1  }
0x2: {  	[smem:$0x3F96] =	sst lr;
	_ =	strace $0xD0000000  }
0x3: {  	_ = 	snop  }
0x4: {  	_ = 	snop  }
0x5: {  	_ = 	snop  }
0x6: {  	_ = 	snop  }
0x7: {  	_ = 	snop  }
__scs_overlays_trampoline_lowered:
0x8: {  	[smem:$0x3FA5] =	sst s0  }
0x9: {  	[smem:$0x3FA6] =	sst s1  }
0xa: {  	[smem:$0x3FA7] =	sst s2  }
0xb: {  	[smem:$0x3FA8] =	sst s3  }
0xc: {  	[smem:$0x3FA9] =	sst s4  }
0xd: {  	[smem:$0x3FAA] =	sst s5  }
0xe: {  	[smem:$0x3FAB] =	sst s6  }
0xf: {  	[smem:$0x3FAC] =	sst s7  }
0x10: {  	[smem:$0x3FAD] =	sst s8  }
0x11: {  	[smem:$0x3FAE] =	sst s9;
	s0 =	simm.s32 @!p0 $0x0  }
0x12: {  	s1 =	sld [smem:$0x3F94];
	s0 =	simm.s32 @p0 $0x1  }
0x13: {  	[smem:$0x3FAF] =	sst s0;
	s0 =	simm.s32 @!p1 $0x0  }
0x14: {  	s2 =	sld [smem:$0x3F93];
	s0 =	simm.s32 @p1 $0x1  }
0x15: {  	[smem:$0x3FB0] =	sst s0;
	s0 =	simm.s32 @!p2 $0x0  }
0x16: {  	s3 =	sld [smem:$0x3FDB];
	s0 =	simm.s32 @p2 $0x1  }
0x17: {  	s4 =	simm.s32 $0x1BF5;
	[smem:$0x3FB2] =	sst s0  }
0x18: {  	s0 =	sld [smem:$0x3F95];
	_ =	swait.ge [sflag:s4], $0x0  }
0x19: {  	s7 =	sld [smem:$0x3F96]  }
0x1a: {  	s8 =	sadd.s32 $0xFFFFE003, lr  }
0x1b: {  	s9 =	sadd.s32 $0xFFFFFEF7, lr;
	s5 =	simm.s32 $0xFFFFFFFF;
	p2 =	slt.u32 s8, $0xFFFFF086  }
0x1c: {  	p1 =	slt.u32 s9, $0xF7A;
	s5 =	simm.s32 @!p2 $0x0  }
0x1d: {  	s5 =	simm.s32 @p1 $0x1;
	p0 =	seq.s32 s7, s2  }
0x1e: {  	s7 =	smul.u32 @!p0 $0xF7A, s2;
	p2 =	seq.s32 @!p0 s5, $0x0  }
0x1f: {  	s9 =	smul.u32 $0xF7A, s1;
	s8 =	simm.s32 @!p0 $0x1BF5;
	p2 =	por !p2, p0  }
0x20: {  	[sflag:s8] =	ssyncset.s32 @!p0 $0xFFFFF086;
	s6 =	sadd.s32 @!p0 s3, s7;
	s7 =	simm.s32 @!p0 $0x108  }
0x21: {  	s3 =	sadd.s32 s3, s9;
	s6 =	sadd.s32 @!p0 $0x88, s6;
	s7 =	simm.s32 @p2 $0x1082  }
0x22: {  	[simem:s7], [sflag:s8] =	dma.local @!p0 [hbm:s6], $0xF7A  }
0x23: {  	s9 =	sor.u32 $0xD0000000, s2;
	s6 =	simm.s32 $0x108;
	_ =	swait.ge @!p0 [sflag:s8], $0x0  }
0x24: {  	s3 =	sadd.s32 $0x88, s3;
	s6 =	simm.s32 @!p1 $0x1082;
	[sflag:s4] =	ssyncset.s32 $0xFFFFF086  }
0x25: {  	[simem:s6], [sflag:s4] =	dma.local [hbm:s3], $0xF7A  }
0x26: {  	[smem:$0x3F96] =	sst s1;
	(tag) =	ssettag s2;
	_ =	strace s9  }
0x27: {  	s1 =	sld [smem:$0x3FA6]  }
0x28: {  	s2 =	sld [smem:$0x3FA7]  }
0x29: {  	s4 =	sld [smem:$0x3FA9]  }
0x2a: {  	p0 =	seq.s32 s5, $0x0;
	s5 =	sld [smem:$0x3FAA]  }
0x2b: {  	s6 =	sld [smem:$0x3FAB]  }
0x2c: {  	s7 =	sld [smem:$0x3FAC]  }
0x2d: {  	s3 =	simm.s32 $0x108;
	s8 =	sld [smem:$0x3FAD]  }
0x2e: {  	s3 =	simm.s32 @!p0 $0x1082;
	s9 =	sld [smem:$0x3FAE]  }
0x2f: {  	lr =	sadd.s32 s0, s3;
	s0 =	sld [smem:$0x3FA5]  }
0x30: {  	s3 =	sld [smem:$0x3FA8]  }
0x31: {  	[smem:$0x3FB1] =	sst s10  }
0x32: {  	s10 =	sld [smem:$0x3FAF];
	_ =	sdelay $0x3  }
0x33: {  	p0 =	seq.s32 s10, $0x1;
	s10 =	sld [smem:$0x3FB1];
	_ =	sdelay $0x3  }
0x34: {  	[smem:$0x3FB1] =	sst s10  }
0x35: {  	s10 =	sld [smem:$0x3FB0];
	_ =	sdelay $0x3  }
0x36: {  	p1 =	seq.s32 s10, $0x1;
	s10 =	sld [smem:$0x3FB1];
	_ =	sdelay $0x3  }
0x37: {  	[smem:$0x3FB1] =	sst s10  }
0x38: {  	s10 =	sld [smem:$0x3FB2]  }
0x39: {  	_ = 	snop;
	(pc) =	sbr.ind lr, $3  }
0x3a: {  	_ = 	snop  }
0x3b: {  	_ = 	snop  }
0x3c: {  	p2 =	seq.s32 s10, $0x1;
	s10 =	sld [smem:$0x3FB1]  }
0x3d: {  	_ =	shalt  }
0x3e: {  	_ =	shalt  }
0x3f: {  	_ =	shalt  }
0x40: {  	_ =	shalt  }
0x41: {  	_ =	shalt  }
0x42: {  	_ =	shalt  }
0x43: {  	_ =	shalt  }
0x44: {  	_ =	shalt  }
0x45: {  	_ =	shalt  }
0x46: {  	_ =	shalt  }
0x47: {  	_ =	shalt  }
0x48: {  	_ =	shalt  }
0x49: {  	_ =	shalt  }
0x4a: {  	_ =	shalt  }
0x4b: {  	_ =	shalt  }
0x4c: {  	_ =	shalt  }
0x4d: {  	_ =	shalt  }
0x4e: {  	_ =	shalt  }
0x4f: {  	_ =	shalt  }
0x50: {  	_ =	shalt  }
0x51: {  	_ =	shalt  }
0x52: {  	_ =	shalt  }
0x53: {  	_ =	shalt  }
0x54: {  	_ =	shalt  }
0x55: {  	_ =	shalt  }
0x56: {  	_ =	shalt  }
0x57: {  	_ =	shalt  }
0x58: {  	_ =	shalt  }
0x59: {  	_ =	shalt  }
0x5a: {  	_ =	shalt  }
0x5b: {  	_ =	shalt  }
0x5c: {  	_ =	shalt  }
0x5d: {  	_ =	shalt  }
0x5e: {  	_ =	shalt  }
0x5f: {  	_ =	shalt  }
0x60: {  	_ =	shalt  }
0x61: {  	_ =	shalt  }
0x62: {  	_ =	shalt  }
0x63: {  	_ =	shalt  }
0x64: {  	_ =	shalt  }
0x65: {  	_ =	shalt  }
0x66: {  	_ =	shalt  }
0x67: {  	_ =	shalt  }
0x68: {  	_ =	shalt  }
0x69: {  	_ =	shalt  }
0x6a: {  	_ =	shalt  }
0x6b: {  	_ =	shalt  }
0x6c: {  	_ =	shalt  }
0x6d: {  	_ =	shalt  }
0x6e: {  	_ =	shalt  }
0x6f: {  	_ =	shalt  }
0x70: {  	_ =	shalt  }
0x71: {  	_ =	shalt  }
0x72: {  	_ =	shalt  }
0x73: {  	_ =	shalt  }
0x74: {  	_ =	shalt  }
0x75: {  	_ =	shalt  }
0x76: {  	_ =	shalt  }
0x77: {  	_ =	shalt  }
0x78: {  	_ =	shalt  }
0x79: {  	_ =	shalt  }
0x7a: {  	_ =	shalt  }
0x7b: {  	_ =	shalt  }
0x7c: {  	_ =	shalt  }
0x7d: {  	_ =	shalt  }
0x7e: {  	_ =	shalt  }
0x7f: {  	_ =	shalt  }
0x80: {  	_ =	shalt  }
0x81: {  	_ =	shalt  }
0x82: {  	_ =	shalt  }
0x83: {  	_ =	shalt  }
0x84: {  	_ =	shalt  }
0x85: {  	_ =	shalt  }
0x86: {  	_ =	shalt  }
0x87: {  	_ =	shalt  }
.Lfunc_end0:
.L_simem_size_0:
called_computation.3_lowered:
.L_overlay_start_0:
0x88: {  	s2 =	sld [smem:$0x3FD9]  }
0x89: {  	s3 =	sld [smem:$0x3FFE];
	_ =	sdelay $0x1  }
0x8a: {  	s1 =	srdreg.scid  }
0x8b: {  	s0 =	sand.u32 $0x1, s1  }
0x8c: {  	s17 =	sshll.u32 s0, $0xA;
	s2 =	sadd.s32 s3, s2  }
0x8d: {  	s2 =	sadd.s32 s2, s17  }
0x8e: {  	[smem:$0x3FBD] =	sst s2  }
0x8f: {  	_ = 	snop  }
0x90: {  	s18 =	sld [smem:$0x3FD0];
	(tm) =	ssettm $0x1  }
0x91: {  	s19 =	sld [smem:$0x3FFB];
	_ =	sdelay $0x3  }
0x92: {  	_ =	strace s19  }
0x93: {  	s2 =	sld [smem:$0x3FFC];
	_ =	sdelay $0x3  }
0x94: {  	_ =	strace s2  }
0x95: {  	s2 =	sld [smem:$0x3FFD];
	_ =	sdelay $0x3  }
0x96: {  	_ =	strace s2  }
0x97: {  	_ =	strace $0x8FFFFFFF  }
0x98: {  	s20 =	sld [smem:$0x3FDB];
	_ =	sdelay $0x1  }
0x99: {  	s4 =	simm.s32 $_scs_section_size  }
0x9a: {  	s5 =	simm.s32 $_size__tile_overlayer_lowered;
	s6 =	simm.s32 $_tile_overlayer_lowered  }
0x9b: {  	s7 =	simm.s32 $0x1BFF;
	s21 =	sshll.u32 s6, $0x1;
	s4 =	sadd.s32 s4, s20  }
0x9c: {  	s22 =	simm.s32 $0x0;
	s5 =	sshll.u32 s5, $0x1;
	s6 =	sadd.s32 s21, s4  }
0x9d: {  	[timem:s22], [sflag:s7] =	dma.local [hbm:s6], s5  }
0x9e: {  	_ =	swait.ge [sflag:s7], s5  }
0x9f: {  	s5 =	ssub.s32 $0x0, s5;
	[sflag:s7] =	ssyncset.done $0x0  }
0xa0: {  	[sflag:s7] =	ssyncadd.s32 s5;
	_ =	sdelay $0x1  }
0xa1: {  	s23 =	simm.s32 $0x1B8B  }
0xa2: {  	_ =	swait.ge [sflag:s23], $0x1  }
0xa3: {  	[sflag:s23] =	ssyncset.done $0x0  }
0xa4: {  	[sflag:s23] =	ssyncadd.s32 $0xFFFFFFFF  }
0xa5: {  	s5 =	sld [smem:$0x0]  }
0xa6: {  	s6 =	sand.u32 $0xFFFFFFFE, s1  }
0xa7: {  	p0 =	sne.s32 s1, s6  }
0xa8: {  	s6 =	sshll.u32 @p0 s6, $0xE  }
0xa9: {  	s6 =	sadd.s32 @p0 $0x11B8D, s6;
	s7 =	sshll.u32 @p0 s5, $0x11  }
0xaa: {  	s6 =	sor.u32 @p0 s7, s6  }
0xab: {  	[sflag:s6] =	ssyncadd.remote.s32 @p0 $0x1;
	_ =	sdelay $0x1  }
0xac: {  	s6 =	simm.s32 @p0 $0x1B8D  }
0xad: {  	_ =	swait.eq @p0 [sflag:s6], $0x1  }
0xae: {  	[sflag:s6] =	ssyncadd.s32 @p0 $0xFFFFFFFF  }
0xaf: {  	s7 =	sshll.u32 @!p0 s1, $0xE  }
0xb0: {  	s7 =	sor.u32 @!p0 $0x4000, s7;
	s6 =	simm.s32 @!p0 $0x1B8D  }
0xb1: {  	s5 =	sshll.u32 @!p0 s5, $0x11;
	s7 =	sadd.s32 @!p0 $0x11B8D, s7;
	_ =	swait.eq @!p0 [sflag:s6], $0x1  }
0xb2: {  	s5 =	sor.u32 @!p0 s5, s7;
	[sflag:s6] =	ssyncadd.s32 @!p0 $0xFFFFFFFF  }
0xb3: {  	s25 =	simm.s32 $0x1B8E;
	s24 =	sld [smem:$0x3FFE];
	[sflag:s5] =	ssyncadd.remote.s32 @!p0 $0x1  }
0xb4: {  	s26 =	simm.s32 $execute0_lowered;
	[smem:$0x3FD2] =	sst s25  }
0xb5: {  	s6 =	sshll.u32 s26, $0x1;
	_ =	strace $0x8000004C;
	[dreg:$0x1] =	wrdreg $0xFFFFFFFF  }
0xb6: {  	s28 =	simm.s32 $_size_execute0_lowered;
	s4 =	sadd.s32 s4, s6;
	[dreg:$0x0] =	wrdreg $0x0  }
0xb7: {  	s6 =	sshll.u32 s28, $0x1;
	[dreg:$0x2] =	wrdreg s4  }
0xb8: {  	[dreg:$0x3] =	wrdreg s6  }
0xb9: {  	[dreg:$0x4] =	wrdreg $0xC0  }
0xba: {  	_ =	task [dreg:s22], $0x5FFFF  }
0xbb: {  	[dreg:$0x1] =	wrdreg $0xFFFFFFFF  }
0xbc: {  	[dreg:$0x0] =	wrdreg $0x60  }
0xbd: {  	[dreg:$0x2] =	wrdreg s24  }
0xbe: {  	[dreg:$0x3] =	wrdreg s18  }
0xbf: {  	[dreg:$0x4] =	wrdreg $0x94000  }
0xc0: {  	[dreg:$0x5] =	wrdreg $0xA  }
0xc1: {  	_ =	task.clear_ibuf [dreg:s22], $0x6FFFF;
	_ =	strace $0x9000004C  }
0xc2: {  	s29 =	simm.s32 $0xA;
	_ =	strace $0x8000004E  }
0xc3: {  	_ =	swait.ge [sflag:s29], $0x1  }
0xc4: {  	[sflag:s29] =	ssyncadd.s32 $0xFFFFFFFF  }
0xc5: {  	_ =	strace $0x9000004E  }
0xc6: {  	_ =	sfence  }
0xc7: {  	s30 =	sld [smem:$0x0];
	_ =	sdelay $0x2  }
0xc8: {  	s31 =	sshll.u32 s1, $0xD;
	s1 =	sshrl.u32 s1, $0x2  }
0xc9: {  	s4 =	sand.u32 $0x4000, s31;
	s1 =	sadd.s32 s1, s30  }
0xca: {  	s0 =	sor.u32 s4, s0;
	s1 =	sshll.u32 s1, $0x11  }
0xcb: {  	s0 =	sor.u32 s1, s0  }
0xcc: {  	s0 =	sadd.s32 $0x8F2B, s0  }
0xcd: {  	[sflag:s0] =	ssyncadd.remote.s32 $0x1  }
0xce: {  	_ =	sfence.sel $0xFFFF  }
0xcf: {  	[dreg:$0x0] =	wrdreg $0xFFFFFFFF;
	(pc) =	sbr.abs _section_cstart, $3  }
0xd0: {  	[dreg:$0x1] =	wrdreg $0xFFFFFFFF  }
0xd1: {  	_ =	task.clear_ibuf [dreg:s22], $0x2FFFF;
	_ =	strace $0x9FFFFFFF  }
0xd2: {  	(tm) =	ssettm $0x7FFFFFFF  }
0xd3: {  	_ =	shalt  }
tec
execute0_lowered:
.L_overlay_start_1:
0x0: {  	(tag) =	ssettag $0x1  }
0x1: {  	s4 =	rddreg [dreg:$0x0]  }
0x2: {  	s5 =	rddreg [dreg:$0x1]  }
0x3: {  	s1 =	rddreg [dreg:$0x2]  }
0x4: {  	s0 =	rddreg [dreg:$0x3];
	s3 =	simm.s32 $0x0  }
0x5: {  	s2 =	srdreg.scid;
	s19 =	simm.s32 $0x1;
	s20 =	simm.s32 $0x5400  }
0x6: {  	s21 =	simm.s32 $0x80;
	s22 =	simm.s32 $0x2;
	s9 =	sand.u32 $0x1, s2  }
0x7: {  	s23 =	simm.s32 $0x3;
	s2 =	stileid.u32;
	s6 =	smul.u32 $0x140000, s9  }
0x8: {  	s24 =	simm.s32 $0x4;
	s25 =	simm.s32 $0x1380;
	s7 =	smul.u32 $0x14000, s2  }
0x9: {  	s26 =	simm.s32 $0x0;
	[smem:$0x7FF] =	sst s3;
	s10 =	smul.u32 $0x50000, s2  }
0xa: {  	s16 =	sadd.s32 $0x539400, s4;
	s8 =	sshll.u32 s2, $0x1;
	s15 =	smul.u32 $0x140000, s2  }
0xb: {  	s29 =	ssub.s32 $0x2, s9;
	s17 =	smul.u32 $0xA0000, s9;
	s8 =	sor.u32 s9, s8  }
0xc: {  	_ =	strace $0x8000004D;
	s12 =	sshrl.u32 s29, $0x1;
	s11 =	smul.u32 $0x280, s8  }
0xd: {  	s6 =	sadd.s32 s7, s6;
	s8 =	smul.u32 $0xA0000, s8;
	s12 =	ssub.s32 s29, s12  }
0xe: {  	s30 =	sshrl.u32 s10, $0x2;
	s15 =	sadd.s32 s17, s15;
	s6 =	sshrl.u32 s6, $0x3  }
0xf: {  	s17 =	sor.u32 $0x10000, s15;
	s15 =	sor.u32 $0xC000, s15;
	s13 =	sadd.s32 s6, s4  }
0x10: {  	s4 =	sadd.s32 s30, s1;
	s5 =	sadd.s32 s5, s11;
	s31 =	sshrl.u32 s8, $0x3  }
0x11: {  	s14 =	sor.u32 $0x8000, s8;
	s8 =	smax.u32 s12, $0x1;
	s17 =	sshrl.u32 s17, $0x3  }
.Ltmp0:
0x12: {  	s18 =	sshrl.u32 s15, $0x3;
	s6 =	sadd.s32 s16, s31;
	(pc) =	sbr.rel .LBB2_1-.Ltmp0, $4  }
0x13: {  	s7 =	sadd.s32 $0x2F400, s13;
	s9 =	sadd.s32 $0x4000, s4;
	s10 =	sadd.s32 $0x8000, s4  }
0x14: {  	s11 =	sadd.s32 $0xC000, s4;
	s12 =	sadd.s32 $0x10000, s4;
	s14 =	sshrl.u32 s14, $0x3  }
0x15: {  	s15 =	sadd.s32 s17, s16;
	s17 =	simm.s32 $0x1400;
	s13 =	sadd.s32 $0x800, s6  }
0x16: {  	v0 =	vimm.f32 $0.0e+00;
	s14 =	sadd.s32 s16, s14;
	s16 =	sadd.s32 s18, s16;
	s18 =	simm.s32 $0x5  }
.LBB2_6:
0x17: {  	[spmem:s1] =	stream.indirect.scatter.add.f32 [tilespmem:s20], [sflag:$0x4], $0x80, s25, s21, $0xb8;
	[tilespmem:$0x1D400] =	vst v63  }
0x18: {  	_ =	swait.ge [sflag:s24], $0x4000  }
0x19: {  	s28 =	sshll.u32 s2, $0x6;
	s26 =	sadd.s32 $0x1, s26;
	[sflag:s24] =	ssyncset.done $0x0  }
0x1a: {  	s29 =	sshrl.u32 s4, $0x3;
	p0 =	sne.s32 s26, s8;
	[sflag:s24] =	ssyncadd.s32 $0xFFFFC000  }
.Ltmp1:
0x1b: {  	s28 =	sor.u32 $0x1C05, s28;
	[bflag:$0x0] =	sbarrier.arrive $0xFFFF;
	(pc) =	sbr.rel @!p0 .LBB2_7-.Ltmp1, $4  }
0x1c: {  	[hbm:s7], [sflag:s28] =	dma.local [spmem:s29], $0x2800  }
0x1d: {  	_ =	swait.ge [sflag:s18], $0x2800  }
0x1e: {  	[sflag:s18] =	ssyncset.done $0x0  }
0x1f: {  	[sflag:s18] =	ssyncadd.s32 $0xFFFFD800  }
.LBB2_1:
0x20: {  	s28 =	sand.u32 $0xFE00, s3  }
0x21: {  	s29 =	sand.u32 $0x70, s3;
	s30 =	sshrl.u32 s28, $0x2  }
0x22: {  	s28 =	simm.s32 $0x40;
	s30 =	sor.u32 s29, s30;
	s29 =	simm.s32 $0x0  }
.LBB2_2:
0x23: {  	p0 =	sne.s32 s28, $0xFFC0  }
0x24: {  	[tilespmem:s30+$0x1400] =	vst v0;
	s29 =	sadd.s32 $0x10, s29;
	s30 =	smov.u32 s28;
	s28 =	sadd.s32 $0x40, s28  }
.Ltmp2:
0x25: {  	(pc) =	sbr.rel @p0 .LBB2_2-.Ltmp2, $4  }
0x26: {  	_ = 	snop  }
0x27: {  	s30 =	sand.u32 $0xFE00, s30  }
0x28: {  	s31 =	sand.u32 $0x70, s29;
	s30 =	sshrl.u32 s30, $0x2  }
0x29: {  	s30 =	sor.u32 s31, s30  }
0x2a: {  	[tilespmem:s30+$0x1400] =	vst v0  }
0x2b: {  	[spmem:s4] =	stream.linear.scatter [tilespmem:s17], [sflag:$0x5], $0x4000, $0x38;
	[tilespmem:$0x1D400] =	vst v63  }
0x2c: {  	_ =	swait.ge [sflag:s18], $0x4000  }
0x2d: {  	[sflag:s18] =	ssyncset.done $0x0  }
0x2e: {  	[sflag:s18] =	ssyncadd.s32 $0xFFFFC000  }
0x2f: {  	[spmem:s9] =	stream.linear.scatter [tilespmem:s17], [sflag:$0x5], $0x4000, $0x38;
	[tilespmem:$0x1D400] =	vst v63  }
0x30: {  	_ =	swait.ge [sflag:s18], $0x4000  }
0x31: {  	[sflag:s18] =	ssyncset.done $0x0  }
0x32: {  	[sflag:s18] =	ssyncadd.s32 $0xFFFFC000  }
0x33: {  	[spmem:s10] =	stream.linear.scatter [tilespmem:s17], [sflag:$0x5], $0x4000, $0x38;
	[tilespmem:$0x1D400] =	vst v63  }
0x34: {  	_ =	swait.ge [sflag:s18], $0x4000  }
0x35: {  	[sflag:s18] =	ssyncset.done $0x0  }
0x36: {  	[sflag:s18] =	ssyncadd.s32 $0xFFFFC000  }
0x37: {  	[spmem:s11] =	stream.linear.scatter [tilespmem:s17], [sflag:$0x5], $0x4000, $0x38;
	[tilespmem:$0x1D400] =	vst v63  }
0x38: {  	_ =	swait.ge [sflag:s18], $0x4000  }
0x39: {  	[sflag:s18] =	ssyncset.done $0x0  }
0x3a: {  	[sflag:s18] =	ssyncadd.s32 $0xFFFFC000  }
0x3b: {  	[spmem:s12] =	stream.linear.scatter [tilespmem:s17], [sflag:$0x5], $0x4000, $0x38;
	[tilespmem:$0x1D400] =	vst v63  }
0x3c: {  	_ =	swait.ge [sflag:s18], $0x4000  }
0x3d: {  	[sflag:s18] =	ssyncset.done $0x0  }
0x3e: {  	[sflag:s18] =	ssyncadd.s32 $0xFFFFC000  }
0x3f: {  	s28 =	simm.s32 $0x0;
	[bflag:$0x0] =	sbarrier.arrive $0xFFFF  }
0x40: {  	[tilespmem:s28], [sflag:$0x5] =	stream.linear.gather [hbm4b:s5+s28], $0x1400, $0x38;
	[tilespmem:$0x1D400] =	vst v63  }
0x41: {  	_ =	swait.ge [sflag:s18], $0x1400  }
0x42: {  	[sflag:s18] =	ssyncset.done $0x0  }
0x43: {  	[sflag:s18] =	ssyncadd.s32 $0xFFFFEC00  }
0x44: {  	[tilespmem:s17], [sflag:$0x1] =	stream.linear.gather [hbm4b:s6+s28], $0x4000, $0x38;
	[tilespmem:$0x1D400] =	vst v63  }
0x45: {  	_ =	swait.ge [sflag:s19], $0x4000  }
0x46: {  	[sflag:s19] =	ssyncset.done $0x0  }
0x47: {  	[sflag:s19] =	ssyncadd.s32 $0xFFFFC000  }
0x48: {  	[tilespmem:s20], [sflag:$0x2] =	stream.linear.gather [hbm4b:s13+s28], $0x4000, $0x38;
	[tilespmem:$0x1D400] =	vst v63  }
0x49: {  	_ = 	snop  }
0x4a: {  	[spmem:s1] =	stream.indirect.scatter.add.f32 [tilespmem:s17], [sflag:$0x3], $0x80, s28, s21, $0xb8;
	[tilespmem:$0x1D400] =	vst v63  }
0x4b: {  	_ =	swait.ge [sflag:s22], $0x4000  }
0x4c: {  	[sflag:s22] =	ssyncset.done $0x0  }
0x4d: {  	[sflag:s22] =	ssyncadd.s32 $0xFFFFC000  }
0x4e: {  	_ =	swait.ge [sflag:s23], $0x4000  }
0x4f: {  	[sflag:s23] =	ssyncset.done $0x0  }
0x50: {  	[sflag:s23] =	ssyncadd.s32 $0xFFFFC000  }
0x51: {  	[tilespmem:s17], [sflag:$0x1] =	stream.linear.gather [hbm4b:s14+s28], $0x4000, $0x38;
	[tilespmem:$0x1D400] =	vst v63  }
0x52: {  	s29 =	simm.s32 $0x100  }
0x53: {  	[spmem:s1] =	stream.indirect.scatter.add.f32 [tilespmem:s20], [sflag:$0x4], $0x80, s21, s21, $0xb8;
	[tilespmem:$0x1D400] =	vst v63  }
.LBB2_4:
0x54: {  	_ =	swait.ge [sflag:s19], $0x4000  }
0x55: {  	[sflag:s19] =	ssyncset.done $0x0  }
0x56: {  	[sflag:s19] =	ssyncadd.s32 $0xFFFFC000  }
0x57: {  	_ =	swait.ge [sflag:s24], $0x4000  }
0x58: {  	[sflag:s24] =	ssyncset.done $0x0  }
0x59: {  	s30 =	sadd.s32 s28, s16;
	[sflag:s24] =	ssyncadd.s32 $0xFFFFC000  }
0x5a: {  	[tilespmem:s20], [sflag:$0x2] =	stream.linear.gather [hbm4b:s30+s3], $0x4000, $0x38;
	[tilespmem:$0x1D400] =	vst v63  }
0x5b: {  	_ = 	snop  }
0x5c: {  	[spmem:s1] =	stream.indirect.scatter.add.f32 [tilespmem:s17], [sflag:$0x3], $0x80, s29, s21, $0xb8;
	[tilespmem:$0x1D400] =	vst v63  }
0x5d: {  	p0 =	seq.s32 s28, $0x12000;
	_ =	swait.ge [sflag:s22], $0x4000  }
.Ltmp3:
0x5e: {  	[sflag:s22] =	ssyncset.done $0x0;
	(pc) =	sbr.rel @p0 .LBB2_6-.Ltmp3, $4  }
0x5f: {  	[sflag:s22] =	ssyncadd.s32 $0xFFFFC000  }
0x60: {  	_ =	swait.ge [sflag:s23], $0x4000  }
0x61: {  	[sflag:s23] =	ssyncset.done $0x0  }
0x62: {  	[sflag:s23] =	ssyncadd.s32 $0xFFFFC000  }
.Ltmp4:
0x63: {  	(pc) =	sbr.rel .LBB2_4-.Ltmp4, $4  }
0x64: {  	s30 =	sadd.s32 s28, s15  }
0x65: {  	[tilespmem:s17], [sflag:$0x1] =	stream.linear.gather [hbm4b:s30+s3], $0x4000, $0x38;
	[tilespmem:$0x1D400] =	vst v63  }
0x66: {  	s31 =	sadd.s32 $0x80, s29;
	s28 =	sadd.s32 $0x1000, s28;
	s29 =	sadd.s32 $0x100, s29  }
0x67: {  	[spmem:s1] =	stream.indirect.scatter.add.f32 [tilespmem:s20], [sflag:$0x4], $0x80, s31, s21, $0xb8;
	[tilespmem:$0x1D400] =	vst v63  }
.LBB2_7:
0x68: {  	_ =	sfence.sel $0x180000  }
0x69: {  	[bflag:$0x0] =	sbarrier.arrive $0xFFFF  }
0x6a: {  	p0 =	sne.s32 s2, $0x0;
	_ =	strace $0x9000004D  }
0x6b: {  	s0 =	sadd.s32 @!p0 $0x100000, s0;
	[bflag:$0x2] =	sbarrier.arrive $0xFFFF  }
0x6c: {  	[sflag:s0] =	ssyncadd.tile.s32 @!p0 $0x1;
	_ =	shalt  }
.Lfunc_end2:
_tile_overlayer_lowered:
.L_overlay_start_2:
0x6d: {  	(tag) =	ssettag $0x2  }
0x6e: {  	s0 =	rddreg [dreg:$0x0];
	s2 =	stileid.u32  }
0x6f: {  	s1 =	rddreg [dreg:$0x1];
	p0 =	sne.s32 s2, $0x0  }
0x70: {  	s3 =	rddreg [dreg:$0x2];
	[bflag:$0x3] =	sbarrier.arrive $0xFFFF;
	s2 =	simm.s32 @!p0 $0x1C05  }
0x71: {  	[timem:s3], [sflag:s2] =	dma.local @!p0 [hbm:s0], s1  }
0x72: {  	s0 =	simm.s32 @!p0 $0x5  }
0x73: {  	_ =	swait.ge @!p0 [sflag:s0], s1  }
0x74: {  	s1 =	ssub.s32 @!p0 $0x0, s1;
	[sflag:s0] =	ssyncset.done @!p0 $0x0  }
0x75: {  	[sflag:s0] =	ssyncadd.s32 @!p0 s1  }
0x76: {  	[bflag:$0x3] =	sbarrier.arrive $0xFFFF  }
0x77: {  	_ =	shalt  }

// kernel: kernel.9.cloned.1.call-start
scs
__scs_entry_jumppad:
0x0: {  	(pc) =	sbr.rel $0x88, $3  }
0x1: {  	(tag) =	ssettag $0x0;
	lr =	simm.s32 $0x1  }
0x2: {  	[smem:$0x3F96] =	sst lr;
	_ =	strace $0xD0000000  }
0x3: {  	_ = 	snop  }
0x4: {  	_ = 	snop  }
0x5: {  	_ = 	snop  }
0x6: {  	_ = 	snop  }
0x7: {  	_ = 	snop  }
__scs_overlays_trampoline_lowered:
0x8: {  	[smem:$0x3FA5] =	sst s0  }
0x9: {  	[smem:$0x3FA6] =	sst s1  }
0xa: {  	[smem:$0x3FA7] =	sst s2  }
0xb: {  	[smem:$0x3FA8] =	sst s3  }
0xc: {  	[smem:$0x3FA9] =	sst s4  }
0xd: {  	[smem:$0x3FAA] =	sst s5  }
0xe: {  	[smem:$0x3FAB] =	sst s6  }
0xf: {  	[smem:$0x3FAC] =	sst s7  }
0x10: {  	[smem:$0x3FAD] =	sst s8  }
0x11: {  	[smem:$0x3FAE] =	sst s9;
	s0 =	simm.s32 @!p0 $0x0  }
0x12: {  	s1 =	sld [smem:$0x3F94];
	s0 =	simm.s32 @p0 $0x1  }
0x13: {  	[smem:$0x3FAF] =	sst s0;
	s0 =	simm.s32 @!p1 $0x0  }
0x14: {  	s2 =	sld [smem:$0x3F93];
	s0 =	simm.s32 @p1 $0x1  }
0x15: {  	[smem:$0x3FB0] =	sst s0;
	s0 =	simm.s32 @!p2 $0x0  }
0x16: {  	s3 =	sld [smem:$0x3FDB];
	s0 =	simm.s32 @p2 $0x1  }
0x17: {  	s4 =	simm.s32 $0x1BF5;
	[smem:$0x3FB2] =	sst s0  }
0x18: {  	s0 =	sld [smem:$0x3F95];
	_ =	swait.ge [sflag:s4], $0x0  }
0x19: {  	s7 =	sld [smem:$0x3F96]  }
0x1a: {  	s8 =	sadd.s32 $0xFFFFE003, lr  }
0x1b: {  	s9 =	sadd.s32 $0xFFFFFEF7, lr;
	s5 =	simm.s32 $0xFFFFFFFF;
	p2 =	slt.u32 s8, $0xFFFFF086  }
0x1c: {  	p1 =	slt.u32 s9, $0xF7A;
	s5 =	simm.s32 @!p2 $0x0  }
0x1d: {  	s5 =	simm.s32 @p1 $0x1;
	p0 =	seq.s32 s7, s2  }
0x1e: {  	s7 =	smul.u32 @!p0 $0xF7A, s2;
	p2 =	seq.s32 @!p0 s5, $0x0  }
0x1f: {  	s9 =	smul.u32 $0xF7A, s1;
	s8 =	simm.s32 @!p0 $0x1BF5;
	p2 =	por !p2, p0  }
0x20: {  	[sflag:s8] =	ssyncset.s32 @!p0 $0xFFFFF086;
	s6 =	sadd.s32 @!p0 s3, s7;
	s7 =	simm.s32 @!p0 $0x108  }
0x21: {  	s3 =	sadd.s32 s3, s9;
	s6 =	sadd.s32 @!p0 $0x88, s6;
	s7 =	simm.s32 @p2 $0x1082  }
0x22: {  	[simem:s7], [sflag:s8] =	dma.local @!p0 [hbm:s6], $0xF7A  }
0x23: {  	s9 =	sor.u32 $0xD0000000, s2;
	s6 =	simm.s32 $0x108;
	_ =	swait.ge @!p0 [sflag:s8], $0x0  }
0x24: {  	s3 =	sadd.s32 $0x88, s3;
	s6 =	simm.s32 @!p1 $0x1082;
	[sflag:s4] =	ssyncset.s32 $0xFFFFF086  }
0x25: {  	[simem:s6], [sflag:s4] =	dma.local [hbm:s3], $0xF7A  }
0x26: {  	[smem:$0x3F96] =	sst s1;
	(tag) =	ssettag s2;
	_ =	strace s9  }
0x27: {  	s1 =	sld [smem:$0x3FA6]  }
0x28: {  	s2 =	sld [smem:$0x3FA7]  }
0x29: {  	s4 =	sld [smem:$0x3FA9]  }
0x2a: {  	p0 =	seq.s32 s5, $0x0;
	s5 =	sld [smem:$0x3FAA]  }
0x2b: {  	s6 =	sld [smem:$0x3FAB]  }
0x2c: {  	s7 =	sld [smem:$0x3FAC]  }
0x2d: {  	s3 =	simm.s32 $0x108;
	s8 =	sld [smem:$0x3FAD]  }
0x2e: {  	s3 =	simm.s32 @!p0 $0x1082;
	s9 =	sld [smem:$0x3FAE]  }
0x2f: {  	lr =	sadd.s32 s0, s3;
	s0 =	sld [smem:$0x3FA5]  }
0x30: {  	s3 =	sld [smem:$0x3FA8]  }
0x31: {  	[smem:$0x3FB1] =	sst s10  }
0x32: {  	s10 =	sld [smem:$0x3FAF];
	_ =	sdelay $0x3  }
0x33: {  	p0 =	seq.s32 s10, $0x1;
	s10 =	sld [smem:$0x3FB1];
	_ =	sdelay $0x3  }
0x34: {  	[smem:$0x3FB1] =	sst s10  }
0x35: {  	s10 =	sld [smem:$0x3FB0];
	_ =	sdelay $0x3  }
0x36: {  	p1 =	seq.s32 s10, $0x1;
	s10 =	sld [smem:$0x3FB1];
	_ =	sdelay $0x3  }
0x37: {  	[smem:$0x3FB1] =	sst s10  }
0x38: {  	s10 =	sld [smem:$0x3FB2]  }
0x39: {  	_ = 	snop;
	(pc) =	sbr.ind lr, $3  }
0x3a: {  	_ = 	snop  }
0x3b: {  	_ = 	snop  }
0x3c: {  	p2 =	seq.s32 s10, $0x1;
	s10 =	sld [smem:$0x3FB1]  }
0x3d: {  	_ =	shalt  }
0x3e: {  	_ =	shalt  }
0x3f: {  	_ =	shalt  }
0x40: {  	_ =	shalt  }
0x41: {  	_ =	shalt  }
0x42: {  	_ =	shalt  }
0x43: {  	_ =	shalt  }
0x44: {  	_ =	shalt  }
0x45: {  	_ =	shalt  }
0x46: {  	_ =	shalt  }
0x47: {  	_ =	shalt  }
0x48: {  	_ =	shalt  }
0x49: {  	_ =	shalt  }
0x4a: {  	_ =	shalt  }
0x4b: {  	_ =	shalt  }
0x4c: {  	_ =	shalt  }
0x4d: {  	_ =	shalt  }
0x4e: {  	_ =	shalt  }
0x4f: {  	_ =	shalt  }
0x50: {  	_ =	shalt  }
0x51: {  	_ =	shalt  }
0x52: {  	_ =	shalt  }
0x53: {  	_ =	shalt  }
0x54: {  	_ =	shalt  }
0x55: {  	_ =	shalt  }
0x56: {  	_ =	shalt  }
0x57: {  	_ =	shalt  }
0x58: {  	_ =	shalt  }
0x59: {  	_ =	shalt  }
0x5a: {  	_ =	shalt  }
0x5b: {  	_ =	shalt  }
0x5c: {  	_ =	shalt  }
0x5d: {  	_ =	shalt  }
0x5e: {  	_ =	shalt  }
0x5f: {  	_ =	shalt  }
0x60: {  	_ =	shalt  }
0x61: {  	_ =	shalt  }
0x62: {  	_ =	shalt  }
0x63: {  	_ =	shalt  }
0x64: {  	_ =	shalt  }
0x65: {  	_ =	shalt  }
0x66: {  	_ =	shalt  }
0x67: {  	_ =	shalt  }
0x68: {  	_ =	shalt  }
0x69: {  	_ =	shalt  }
0x6a: {  	_ =	shalt  }
0x6b: {  	_ =	shalt  }
0x6c: {  	_ =	shalt  }
0x6d: {  	_ =	shalt  }
0x6e: {  	_ =	shalt  }
0x6f: {  	_ =	shalt  }
0x70: {  	_ =	shalt  }
0x71: {  	_ =	shalt  }
0x72: {  	_ =	shalt  }
0x73: {  	_ =	shalt  }
0x74: {  	_ =	shalt  }
0x75: {  	_ =	shalt  }
0x76: {  	_ =	shalt  }
0x77: {  	_ =	shalt  }
0x78: {  	_ =	shalt  }
0x79: {  	_ =	shalt  }
0x7a: {  	_ =	shalt  }
0x7b: {  	_ =	shalt  }
0x7c: {  	_ =	shalt  }
0x7d: {  	_ =	shalt  }
0x7e: {  	_ =	shalt  }
0x7f: {  	_ =	shalt  }
0x80: {  	_ =	shalt  }
0x81: {  	_ =	shalt  }
0x82: {  	_ =	shalt  }
0x83: {  	_ =	shalt  }
0x84: {  	_ =	shalt  }
0x85: {  	_ =	shalt  }
0x86: {  	_ =	shalt  }
0x87: {  	_ =	shalt  }
.Lfunc_end0:
.L_simem_size_0:
called_computation_lowered:
.L_overlay_start_0:
0x88: {  	s2 =	sld [smem:$0x3FD9]  }
0x89: {  	s3 =	sld [smem:$0x3FFE];
	_ =	sdelay $0x1  }
0x8a: {  	s1 =	srdreg.scid  }
0x8b: {  	s0 =	sand.u32 $0x1, s1  }
0x8c: {  	s17 =	sshll.u32 s0, $0xA;
	s2 =	sadd.s32 s3, s2  }
0x8d: {  	s2 =	sadd.s32 s2, s17  }
0x8e: {  	[smem:$0x3FBD] =	sst s2  }
0x8f: {  	_ = 	snop  }
0x90: {  	(tm) =	ssettm $0x1  }
0x91: {  	s18 =	sld [smem:$0x3FFB];
	_ =	sdelay $0x3  }
0x92: {  	_ =	strace s18  }
0x93: {  	s2 =	sld [smem:$0x3FFC];
	_ =	sdelay $0x3  }
0x94: {  	_ =	strace s2  }
0x95: {  	s2 =	sld [smem:$0x3FFD];
	_ =	sdelay $0x3  }
0x96: {  	_ =	strace s2  }
0x97: {  	_ =	strace $0x8FFFFFFF  }
0x98: {  	s19 =	sld [smem:$0x3FDB];
	_ =	sdelay $0x1  }
0x99: {  	s20 =	simm.s32 $_scs_section_size  }
0x9a: {  	s4 =	simm.s32 $_size__tile_overlayer_lowered;
	s5 =	simm.s32 $_tile_overlayer_lowered  }
0x9b: {  	s6 =	simm.s32 $0x1BFF;
	s21 =	sshll.u32 s5, $0x1;
	s3 =	sadd.s32 s20, s19  }
0x9c: {  	s22 =	simm.s32 $0x0;
	s4 =	sshll.u32 s4, $0x1;
	s5 =	sadd.s32 s21, s3  }
0x9d: {  	[timem:s22], [sflag:s6] =	dma.local [hbm:s5], s4  }
0x9e: {  	_ =	swait.ge [sflag:s6], s4  }
0x9f: {  	s4 =	ssub.s32 $0x0, s4;
	[sflag:s6] =	ssyncset.done $0x0  }
0xa0: {  	[sflag:s6] =	ssyncadd.s32 s4;
	_ =	sdelay $0x1  }
0xa1: {  	s23 =	simm.s32 $0x1B8B  }
0xa2: {  	_ =	swait.ge [sflag:s23], $0x1  }
0xa3: {  	[sflag:s23] =	ssyncset.done $0x0  }
0xa4: {  	[sflag:s23] =	ssyncadd.s32 $0xFFFFFFFF  }
0xa5: {  	s4 =	sld [smem:$0x0]  }
0xa6: {  	s5 =	sand.u32 $0xFFFFFFFE, s1  }
0xa7: {  	p0 =	sne.s32 s1, s5  }
0xa8: {  	s5 =	sshll.u32 @p0 s5, $0xE  }
0xa9: {  	s5 =	sadd.s32 @p0 $0x11B8D, s5;
	s6 =	sshll.u32 @p0 s4, $0x11  }
0xaa: {  	s5 =	sor.u32 @p0 s6, s5  }
0xab: {  	[sflag:s5] =	ssyncadd.remote.s32 @p0 $0x1;
	_ =	sdelay $0x1  }
0xac: {  	s5 =	simm.s32 @p0 $0x1B8D  }
0xad: {  	_ =	swait.eq @p0 [sflag:s5], $0x1  }
0xae: {  	[sflag:s5] =	ssyncadd.s32 @p0 $0xFFFFFFFF  }
0xaf: {  	s6 =	sshll.u32 @!p0 s1, $0xE  }
0xb0: {  	s6 =	sor.u32 @!p0 $0x4000, s6;
	s5 =	simm.s32 @!p0 $0x1B8D  }
0xb1: {  	s4 =	sshll.u32 @!p0 s4, $0x11;
	s6 =	sadd.s32 @!p0 $0x11B8D, s6;
	_ =	swait.eq @!p0 [sflag:s5], $0x1  }
0xb2: {  	s4 =	sor.u32 @!p0 s4, s6;
	[sflag:s5] =	ssyncadd.s32 @!p0 $0xFFFFFFFF  }
0xb3: {  	s25 =	simm.s32 $0x1B8E;
	s24 =	sld [smem:$0x3FFE];
	[sflag:s4] =	ssyncadd.remote.s32 @!p0 $0x1  }
0xb4: {  	s26 =	simm.s32 $execute0_lowered;
	[smem:$0x3FD2] =	sst s25  }
0xb5: {  	s5 =	sshll.u32 s26, $0x1;
	_ =	strace $0x80000049;
	[dreg:$0x1] =	wrdreg $0xFFFFFFFF  }
0xb6: {  	s28 =	simm.s32 $_size_execute0_lowered;
	s3 =	sadd.s32 s3, s5;
	[dreg:$0x0] =	wrdreg $0x0  }
0xb7: {  	s5 =	sshll.u32 s28, $0x1;
	[dreg:$0x2] =	wrdreg s3  }
0xb8: {  	[dreg:$0x3] =	wrdreg s5  }
0xb9: {  	[dreg:$0x4] =	wrdreg $0xC0  }
0xba: {  	_ =	task [dreg:s22], $0x5FFFF  }
0xbb: {  	[dreg:$0x1] =	wrdreg $0xFFFFFFFF  }
0xbc: {  	[dreg:$0x0] =	wrdreg $0x60  }
0xbd: {  	[dreg:$0x2] =	wrdreg s24  }
0xbe: {  	[dreg:$0x3] =	wrdreg $0x94000  }
0xbf: {  	[dreg:$0x4] =	wrdreg $0x9  }
0xc0: {  	_ =	task.clear_ibuf [dreg:s22], $0x5FFFF;
	_ =	strace $0x90000049  }
0xc1: {  	s29 =	simm.s32 $0x9;
	_ =	strace $0x8000004B  }
0xc2: {  	_ =	swait.ge [sflag:s29], $0x1  }
0xc3: {  	[sflag:s29] =	ssyncadd.s32 $0xFFFFFFFF  }
0xc4: {  	_ =	strace $0x9000004B  }
0xc5: {  	_ =	sfence  }
0xc6: {  	s30 =	sld [smem:$0x0];
	_ =	sdelay $0x2  }
0xc7: {  	s31 =	sshll.u32 s1, $0xD;
	s1 =	sshrl.u32 s1, $0x2  }
0xc8: {  	s4 =	sand.u32 $0x4000, s31;
	s1 =	sadd.s32 s1, s30  }
0xc9: {  	s0 =	sor.u32 s4, s0;
	s1 =	sshll.u32 s1, $0x11  }
0xca: {  	s0 =	sor.u32 s1, s0  }
0xcb: {  	s0 =	sadd.s32 $0x8F2B, s0  }
0xcc: {  	[sflag:s0] =	ssyncadd.remote.s32 $0x1  }
0xcd: {  	_ =	sfence.sel $0xFFFF  }
0xce: {  	[dreg:$0x0] =	wrdreg $0xFFFFFFFF;
	(pc) =	sbr.abs _section_cstart, $3  }
0xcf: {  	[dreg:$0x1] =	wrdreg $0xFFFFFFFF  }
0xd0: {  	_ =	task.clear_ibuf [dreg:s22], $0x2FFFF;
	_ =	strace $0x9FFFFFFF  }
0xd1: {  	(tm) =	ssettm $0x7FFFFFFF  }
tec
execute0_lowered:
.L_overlay_start_1:
0x0: {  	(tag) =	ssettag $0x1  }
0x1: {  	s4 =	rddreg [dreg:$0x0]  }
0x2: {  	s2 =	rddreg [dreg:$0x1];
	s1 =	stileid.u32  }
0x3: {  	s3 =	srdreg.scid;
	s0 =	rddreg [dreg:$0x2];
	s17 =	simm.s32 $0x1400  }
0x4: {  	s18 =	simm.s32 $0x1;
	s19 =	simm.s32 $0x5400;
	s20 =	simm.s32 $0x2  }
0x5: {  	s21 =	simm.s32 $0x3;
	s22 =	simm.s32 $0x100;
	s23 =	simm.s32 $0x4  }
0x6: {  	s24 =	simm.s32 $0x1380;
	s5 =	sand.u32 $0x1, s3;
	s7 =	smul.u32 $0x2800, s1  }
0x7: {  	s6 =	sshll.u32 s1, $0x1;
	s3 =	simm.s32 $0x0;
	s9 =	smul.u32 $0x50000, s1  }
0x8: {  	s13 =	sadd.s32 $0x2B9400, s4;
	s26 =	smul.u32 $0x140000, s1;
	s28 =	sshll.u32 s1, $0x6  }
0x9: {  	s6 =	sor.u32 s5, s6;
	[smem:$0x7FF] =	sst s3;
	s12 =	smul.u32 $0xA0000, s5  }
0xa: {  	s25 =	ssub.s32 $0x2, s5;
	s5 =	sor.u32 $0x1C05, s28;
	s8 =	smul.u32 $0x280, s6  }
0xb: {  	_ =	strace $0x8000004A;
	s7 =	sadd.s32 s7, s4;
	s10 =	sshrl.u32 s25, $0x1  }
0xc: {  	s9 =	sshrl.u32 s9, $0x2;
	s11 =	smul.u32 $0xA0000, s6;
	s10 =	ssub.s32 s25, s10  }
0xd: {  	s14 =	sadd.s32 s9, s2;
	s30 =	sadd.s32 s12, s26;
	s25 =	simm.s32 $0x0  }
0xe: {  	s8 =	sadd.s32 s8, s4;
	s4 =	sadd.s32 $0x7400, s7;
	s29 =	sshrl.u32 s11, $0x3  }
0xf: {  	s7 =	smax.u32 s10, $0x1;
	s31 =	sor.u32 $0x8000, s30;
	s12 =	sor.u32 $0xC000, s30  }
0x10: {  	s14 =	sshrl.u32 s14, $0x3;
	s6 =	sadd.s32 $0x2AF400, s8;
	s8 =	sadd.s32 s13, s29  }
0x11: {  	s15 =	sshrl.u32 s31, $0x3;
	s16 =	sshrl.u32 s12, $0x3;
	s9 =	sadd.s32 $0x800, s8  }
0x12: {  	s10 =	sadd.s32 $0x13000, s8;
	s11 =	sadd.s32 $0x13800, s8;
	s12 =	sadd.s32 s15, s13  }
0x13: {  	s13 =	sadd.s32 s16, s13;
	s15 =	simm.s32 $0x5;
	s16 =	simm.s32 $0x80  }
.LBB2_1:
0x14: {  	[spmem:s14], [sflag:s5] =	dma.local [hbm:s4], $0x2800  }
0x15: {  	_ =	swait.ge [sflag:s15], $0x2800  }
0x16: {  	[sflag:s15] =	ssyncset.done $0x0  }
0x17: {  	[sflag:s15] =	ssyncadd.s32 $0xFFFFD800  }
0x18: {  	[tilespmem:s3], [sflag:$0x5] =	stream.linear.gather [hbm4b:s6+s3], $0x1400, $0x38;
	[tilespmem:$0x1D400] =	vst v63  }
0x19: {  	_ =	swait.ge [sflag:s15], $0x1400  }
0x1a: {  	[sflag:s15] =	ssyncset.done $0x0  }
0x1b: {  	[sflag:s15] =	ssyncadd.s32 $0xFFFFEC00  }
0x1c: {  	[bflag:$0x0] =	sbarrier.arrive $0xFFFF  }
0x1d: {  	[tilespmem:s17], [sflag:$0x1] =	stream.indirect.gather [spmem:s2], $0x80, s3, s16, $0xb8;
	[tilespmem:$0x1D400] =	vst v63  }
0x1e: {  	_ =	swait.ge [sflag:s18], $0x4000  }
0x1f: {  	[sflag:s18] =	ssyncset.done $0x0  }
0x20: {  	[sflag:s18] =	ssyncadd.s32 $0xFFFFC000  }
0x21: {  	[tilespmem:s19], [sflag:$0x2] =	stream.indirect.gather [spmem:s2], $0x80, s16, s16, $0xb8;
	[tilespmem:$0x1D400] =	vst v63  }
0x22: {  	_ = 	snop  }
0x23: {  	[hbm4b:s8+s3] =	stream.linear.scatter [tilespmem:s17], [sflag:$0x3], $0x4000, $0x38;
	[tilespmem:$0x1D400] =	vst v63  }
0x24: {  	_ =	swait.ge [sflag:s20], $0x4000  }
0x25: {  	[sflag:s20] =	ssyncset.done $0x0  }
0x26: {  	[sflag:s20] =	ssyncadd.s32 $0xFFFFC000  }
0x27: {  	_ =	swait.ge [sflag:s21], $0x4000  }
0x28: {  	[sflag:s21] =	ssyncset.done $0x0  }
0x29: {  	[sflag:s21] =	ssyncadd.s32 $0xFFFFC000  }
0x2a: {  	[tilespmem:s17], [sflag:$0x1] =	stream.indirect.gather [spmem:s2], $0x80, s22, s16, $0xb8;
	[tilespmem:$0x1D400] =	vst v63  }
0x2b: {  	_ = 	snop  }
0x2c: {  	[hbm4b:s9+s3] =	stream.linear.scatter [tilespmem:s19], [sflag:$0x4], $0x4000, $0x38;
	[tilespmem:$0x1D400] =	vst v63  }
0x2d: {  	_ =	swait.ge [sflag:s18], $0x4000  }
0x2e: {  	[sflag:s18] =	ssyncset.done $0x0  }
0x2f: {  	[sflag:s18] =	ssyncadd.s32 $0xFFFFC000  }
0x30: {  	_ =	swait.ge [sflag:s23], $0x4000  }
0x31: {  	[sflag:s23] =	ssyncset.done $0x0  }
0x32: {  	s26 =	simm.s32 $0x180;
	[sflag:s23] =	ssyncadd.s32 $0xFFFFC000  }
0x33: {  	[tilespmem:s19], [sflag:$0x2] =	stream.indirect.gather [spmem:s2], $0x80, s26, s16, $0xb8;
	[tilespmem:$0x1D400] =	vst v63  }
0x34: {  	s30 =	sadd.s32 $0x0, s12  }
0x35: {  	[hbm4b:s30+s3] =	stream.linear.scatter [tilespmem:s17], [sflag:$0x3], $0x4000, $0x38;
	[tilespmem:$0x1D400] =	vst v63  }
0x36: {  	_ =	swait.ge [sflag:s20], $0x4000  }
0x37: {  	[sflag:s20] =	ssyncset.done $0x0  }
0x38: {  	[sflag:s20] =	ssyncadd.s32 $0xFFFFC000  }
0x39: {  	_ =	swait.ge [sflag:s21], $0x4000  }
0x3a: {  	s31 =	simm.s32 $0x200;
	s29 =	sadd.s32 $0x0, s13;
	[sflag:s21] =	ssyncset.done $0x0  }
0x3b: {  	s28 =	simm.s32 $0x300;
	s26 =	simm.s32 $0x1000;
	[sflag:s21] =	ssyncadd.s32 $0xFFFFC000  }
0x3c: {  	[tilespmem:s17], [sflag:$0x1] =	stream.indirect.gather [spmem:s2], $0x80, s31, s16, $0xb8;
	[tilespmem:$0x1D400] =	vst v63  }
.LBB2_2:
0x3d: {  	[hbm4b:s29+s3] =	stream.linear.scatter [tilespmem:s19], [sflag:$0x4], $0x4000, $0x38;
	[tilespmem:$0x1D400] =	vst v63  }
0x3e: {  	s29 =	smov.u32 s26  }
0x3f: {  	p0 =	sne.s32 s26, $0x11000;
	s26 =	sadd.s32 $0x1000, s26;
	_ =	swait.ge [sflag:s18], $0x4000  }
0x40: {  	[sflag:s18] =	ssyncset.done $0x0  }
0x41: {  	[sflag:s18] =	ssyncadd.s32 $0xFFFFC000  }
0x42: {  	_ =	swait.ge [sflag:s23], $0x4000  }
0x43: {  	[sflag:s23] =	ssyncset.done $0x0  }
0x44: {  	s30 =	sadd.s32 $0xFFFFFF80, s28;
	[sflag:s23] =	ssyncadd.s32 $0xFFFFC000  }
0x45: {  	[tilespmem:s19], [sflag:$0x2] =	stream.indirect.gather [spmem:s2], $0x80, s30, s16, $0xb8;
	[tilespmem:$0x1D400] =	vst v63  }
0x46: {  	s30 =	sadd.s32 s29, s12  }
0x47: {  	[hbm4b:s30+s3] =	stream.linear.scatter [tilespmem:s17], [sflag:$0x3], $0x4000, $0x38;
	[tilespmem:$0x1D400] =	vst v63  }
0x48: {  	_ =	swait.ge [sflag:s20], $0x4000  }
0x49: {  	[sflag:s20] =	ssyncset.done $0x0  }
0x4a: {  	[sflag:s20] =	ssyncadd.s32 $0xFFFFC000  }
.Ltmp0:
0x4b: {  	_ =	swait.ge [sflag:s21], $0x4000;
	(pc) =	sbr.rel @p0 .LBB2_2-.Ltmp0, $4  }
0x4c: {  	[sflag:s21] =	ssyncset.done $0x0  }
0x4d: {  	[sflag:s21] =	ssyncadd.s32 $0xFFFFC000  }
0x4e: {  	[tilespmem:s17], [sflag:$0x1] =	stream.indirect.gather [spmem:s2], $0x80, s28, s16, $0xb8;
	[tilespmem:$0x1D400] =	vst v63  }
0x4f: {  	s29 =	sadd.s32 s29, s13;
	s28 =	sadd.s32 $0x100, s28  }
0x50: {  	[hbm4b:s29+s3] =	stream.linear.scatter [tilespmem:s19], [sflag:$0x4], $0x4000, $0x38;
	[tilespmem:$0x1D400] =	vst v63  }
0x51: {  	_ =	swait.ge [sflag:s18], $0x4000  }
0x52: {  	[sflag:s18] =	ssyncset.done $0x0  }
0x53: {  	[sflag:s18] =	ssyncadd.s32 $0xFFFFC000  }
0x54: {  	_ =	swait.ge [sflag:s23], $0x4000  }
0x55: {  	[sflag:s23] =	ssyncset.done $0x0  }
0x56: {  	[sflag:s23] =	ssyncadd.s32 $0xFFFFC000  }
0x57: {  	[tilespmem:s19], [sflag:$0x2] =	stream.indirect.gather [spmem:s2], $0x80, s24, s16, $0xb8;
	[tilespmem:$0x1D400] =	vst v63  }
0x58: {  	_ = 	snop  }
0x59: {  	[hbm4b:s10+s3] =	stream.linear.scatter [tilespmem:s17], [sflag:$0x3], $0x4000, $0x38;
	[tilespmem:$0x1D400] =	vst v63  }
0x5a: {  	_ =	swait.ge [sflag:s20], $0x4000  }
0x5b: {  	[sflag:s20] =	ssyncset.done $0x0  }
0x5c: {  	[sflag:s20] =	ssyncadd.s32 $0xFFFFC000  }
0x5d: {  	s25 =	sadd.s32 $0x1, s25;
	_ =	swait.ge [sflag:s21], $0x4000  }
0x5e: {  	p0 =	sne.s32 s25, s7;
	[sflag:s21] =	ssyncset.done $0x0  }
.Ltmp1:
0x5f: {  	[sflag:s21] =	ssyncadd.s32 $0xFFFFC000;
	(pc) =	sbr.rel @p0 .LBB2_1-.Ltmp1, $4  }
0x60: {  	[hbm4b:s11+s3] =	stream.linear.scatter [tilespmem:s19], [sflag:$0x4], $0x4000, $0x38;
	[tilespmem:$0x1D400] =	vst v63  }
0x61: {  	_ =	swait.ge [sflag:s23], $0x4000  }
0x62: {  	[sflag:s23] =	ssyncset.done $0x0  }
0x63: {  	[sflag:s23] =	ssyncadd.s32 $0xFFFFC000  }
0x64: {  	_ =	sfence.sel $0x180000  }
0x65: {  	[bflag:$0x0] =	sbarrier.arrive $0xFFFF  }
0x66: {  	p0 =	sne.s32 s1, $0x0;
	_ =	strace $0x9000004A  }
0x67: {  	s0 =	sadd.s32 @!p0 $0x100000, s0;
	[bflag:$0x2] =	sbarrier.arrive $0xFFFF  }
0x68: {  	[sflag:s0] =	ssyncadd.tile.s32 @!p0 $0x1;
	_ =	shalt  }
.Lfunc_end2:
_tile_overlayer_lowered:
.L_overlay_start_2:
0x69: {  	(tag) =	ssettag $0x2  }
0x6a: {  	s0 =	rddreg [dreg:$0x0];
	s2 =	stileid.u32  }
0x6b: {  	s1 =	rddreg [dreg:$0x1];
	p0 =	sne.s32 s2, $0x0  }
0x6c: {  	s3 =	rddreg [dreg:$0x2];
	[bflag:$0x3] =	sbarrier.arrive $0xFFFF;
	s2 =	simm.s32 @!p0 $0x1C05  }
0x6d: {  	[timem:s3], [sflag:s2] =	dma.local @!p0 [hbm:s0], s1  }
0x6e: {  	s0 =	simm.s32 @!p0 $0x5  }
0x6f: {  	_ =	swait.ge @!p0 [sflag:s0], s1  }
0x70: {  	s1 =	ssub.s32 @!p0 $0x0, s1;
	[sflag:s0] =	ssyncset.done @!p0 $0x0  }
0x71: {  	[sflag:s0] =	ssyncadd.s32 @!p0 s1  }
0x72: {  	[bflag:$0x3] =	sbarrier.arrive $0xFFFF  }
0x73: {  	_ =	shalt  }

</sc_bundles>
